<compile_context>
chip_gen: v7x
topology: tpu7x:2x2x1
jax: 0.10.2.dev20260603
libtpu: 0.0.44.dev20260713+nightly
codegen_flags: <defaults>
</compile_context>

<pallas_src>
import functools

import jax
import jax.numpy as jnp
from jax import lax
from jax.experimental import pallas as pl
from jax.experimental.pallas import tpu as pltpu
from jax.experimental.pallas import tpu_sc as plsc

D_MODEL = 64
NB = 2
NBUF = 4


@functools.cache
def _build(batch: int, seq: int):
    info = plsc.get_sparse_core_info()
    nc, ns = info.num_cores, info.num_subcores
    nw = nc * ns
    assert batch % nw == 0
    rows_per_w = batch // nw
    assert rows_per_w % (NBUF * NB) == 0
    n_chunks = rows_per_w // NB
    n_groups = n_chunks // NBUF
    splits = []
    off = 0
    while off < seq:
        g = min(128, seq - off)
        splits.append((off, g))
        off += g
    mesh = plsc.VectorSubcoreMesh(core_axis_name="c", subcore_axis_name="s")

    @functools.partial(
        pl.kernel,
        mesh=mesh,
        out_type=jax.ShapeDtypeStruct((batch, seq, 128), jnp.float32),
        scratch_types=(
            [pltpu.VMEM((NB, seq), jnp.int32) for _ in range(NBUF)]
            + [pltpu.VMEM((NB, seq, D_MODEL), jnp.float32) for _ in range(NBUF)]
            + [pltpu.SemaphoreType.DMA for _ in range(2 * NBUF)]
        ),
        compiler_params=pltpu.CompilerParams(use_tc_tiling_on_sc=False),
    )
    def gather_kernel(idx_hbm, table_hbm, out_hbm, *scratch):
        idx_b = scratch[:NBUF]
        rows_b = scratch[NBUF:2 * NBUF]
        sem_g = scratch[2 * NBUF:3 * NBUF]
        sem_w = scratch[3 * NBUF:]
        wid = lax.axis_index("s") * nc + lax.axis_index("c")
        base = wid * rows_per_w

        def load_and_fire(c, s):
            b0 = base + c * NB
            pltpu.sync_copy(idx_hbm.at[pl.ds(b0, NB)], idx_b[s])
            for r in range(NB):
                for o, g in splits:
                    pltpu.async_copy(
                        table_hbm.at[idx_b[s].at[r, pl.ds(o, g)]],
                        rows_b[s].at[r, pl.ds(o, g)],
                        sem_g[s],
                    )

        def drain_g(s):
            pltpu.make_async_copy(
                out_hbm.at[pl.ds(0, NB), :, pl.ds(0, D_MODEL)], rows_b[s],
                sem_g[s]
            ).wait()

        def wb_start(c, s):
            b0 = base + c * NB
            pltpu.async_copy(
                rows_b[s], out_hbm.at[pl.ds(b0, NB), :, pl.ds(0, D_MODEL)],
                sem_w[s],
            )

        def drain_w(s):
            pltpu.make_async_copy(
                out_hbm.at[pl.ds(0, NB), :, pl.ds(0, D_MODEL)], rows_b[s],
                sem_w[s]
            ).wait()

        for s in range(NBUF - 1):
            load_and_fire(s, s)

        def body(i, carry):
            for s in range(NBUF):
                c = NBUF * i + s
                drain_g(s)
                wb_start(c, s)
                cf = c + NBUF - 1
                sf = (s + NBUF - 1) % NBUF

                @pl.when(cf < n_chunks)
                def _():
                    @pl.when(cf >= NBUF)
                    def _():
                        drain_w(sf)

                    load_and_fire(cf, sf)

            return carry

        lax.fori_loop(0, n_groups, body, 0)
        for s in range(NBUF):
            drain_w(s)

    return gather_kernel


def kernel(token_ids, weights):
    batch, seq = token_ids.shape
    padded = _build(batch, seq)(token_ids.astype(jnp.int32), weights)
    return padded[:, :, :D_MODEL]

# --- scband reference (transcript-rebuilt; emitter-appended) ---
"""Pipeline reference for scband-embedding-17867063951437 (READ-ONLY COPY).

The authoritative reference and input builder live on the scoring server;
editing this copy changes nothing except your own understanding.
"""

import jax, jax.numpy as jnp
import numpy as np

VOCAB = 1000000
D_MODEL = 64
BATCH = 16384
SEQ = 200


def setup_inputs(seed: int = 0) -> dict:
    key = jax.random.key(seed)
    k_idx, k_w = jax.random.split(key)
    token_ids = jax.random.randint(k_idx, (BATCH, SEQ), 0, VOCAB, dtype=jnp.int64 if jax.config.jax_enable_x64 else jnp.int32)
    weights = jax.random.normal(k_w, (VOCAB, D_MODEL), dtype=jnp.float32) * 0.02
    return {"token_ids": token_ids, "weights": weights}


def reference(token_ids, weights):
    # Embedding lookup: weights[token_ids] -> [batch, seq, d_model]
    return jnp.take(weights, token_ids, axis=0)

if __name__ == "__main__":
    import jax
    _d = setup_inputs()
    print(jax.jit(kernel)(*tuple(_d.values())))

</pallas_src>

<mosaic_0001>
#map = affine_map<(d0, d1) -> (0, 0)>
#map1 = affine_map<(d0, d1) -> (0, 0, 0)>
module attributes {stable_mosaic.version = 14 : i64} {
  func.func @gather_kernel(%arg0: i32, %arg1: i32, %arg2: memref<16384x200xi32, #tpu.memory_space<hbm>>, %arg3: memref<1000000x64xf32, #tpu.memory_space<hbm>>, %arg4: memref<16384x200x128xf32, #tpu.memory_space<hbm>>, %arg5: memref<2x200xi32, #tpu.memory_space<vmem>>, %arg6: memref<2x200xi32, #tpu.memory_space<vmem>>, %arg7: memref<2x200xi32, #tpu.memory_space<vmem>>, %arg8: memref<2x200xi32, #tpu.memory_space<vmem>>, %arg9: memref<2x200x64xf32, #tpu.memory_space<vmem>>, %arg10: memref<2x200x64xf32, #tpu.memory_space<vmem>>, %arg11: memref<2x200x64xf32, #tpu.memory_space<vmem>>, %arg12: memref<2x200x64xf32, #tpu.memory_space<vmem>>, %arg13: memref<!tpu.dma_semaphore, #tpu.memory_space<semaphore_mem>>, %arg14: memref<!tpu.dma_semaphore, #tpu.memory_space<semaphore_mem>>, %arg15: memref<!tpu.dma_semaphore, #tpu.memory_space<semaphore_mem>>, %arg16: memref<!tpu.dma_semaphore, #tpu.memory_space<semaphore_mem>>, %arg17: memref<!tpu.dma_semaphore, #tpu.memory_space<semaphore_mem>>, %arg18: memref<!tpu.dma_semaphore, #tpu.memory_space<semaphore_mem>>, %arg19: memref<!tpu.dma_semaphore, #tpu.memory_space<semaphore_mem>>, %arg20: memref<!tpu.dma_semaphore, #tpu.memory_space<semaphore_mem>>) attributes {dimension_semantics = [#tpu.dimension_semantics<core_parallel>, #tpu.dimension_semantics<subcore_parallel>], iteration_bounds = array<i64: 2, 16>, scalar_prefetch = 0 : i64, scratch_operands = 16 : i64, tpu.core_type = #tpu.core_type<sc_vector_subcore>, window_params = [{transform_indices = #map}, {transform_indices = #map}, {transform_indices = #map1}]} {
    %mul3A = arith.constant 2 : i32
    %mul3A_0 = arith.muli %arg1, %mul3A : i32
    %add3A = arith.addi %mul3A_0, %arg0 : i32
    %mul3A_1 = arith.constant 512 : i32
    %mul3A_2 = arith.muli %add3A, %mul3A_1 : i32
    %add3A_3 = arith.constant 0 : i32
    %add3A_4 = arith.addi %mul3A_2, %add3A_3 : i32
    "tpu.region"() ({
      %run_scoped3A = tpu.sem_alloc : memref<!tpu.dma_semaphore, #tpu.memory_space<semaphore_mem>>
      %dma_start3A_188 = arith.constant 0 : i32
      %dma_start3A_189 = tpu.memref_slice %arg2[%add3A_4, %dma_start3A_188] : memref<16384x200xi32, #tpu.memory_space<hbm>> -> memref<2x200xi32, #tpu.memory_space<hbm>>
      %dma_start3A_190 = arith.constant 0 : i32
      %dma_start3A_191 = tpu.memref_slice %arg2[%add3A_4, %dma_start3A_190] : memref<16384x200xi32, #tpu.memory_space<hbm>> -> memref<2x200xi32, #tpu.memory_space<hbm>>
      tpu.enqueue_dma source(%dma_start3A_191 : memref<2x200xi32, #tpu.memory_space<hbm>>) target(%arg5 : memref<2x200xi32, #tpu.memory_space<vmem>>) target_semaphore(%run_scoped3A : memref<!tpu.dma_semaphore, #tpu.memory_space<semaphore_mem>>)
      %dma_wait3A_192 = arith.constant 0 : i32
      %dma_wait3A_193 = tpu.memref_slice %arg2[%add3A_4, %dma_wait3A_192] : memref<16384x200xi32, #tpu.memory_space<hbm>> -> memref<2x200xi32, #tpu.memory_space<hbm>>
      %dma_wait3A_194 = arith.constant 0 : i32
      %dma_wait3A_195 = tpu.memref_slice %arg2[%add3A_4, %dma_wait3A_194] : memref<16384x200xi32, #tpu.memory_space<hbm>> -> memref<2x200xi32, #tpu.memory_space<hbm>>
      tpu.wait_dma2 semaphore(%run_scoped3A : memref<!tpu.dma_semaphore, #tpu.memory_space<semaphore_mem>>) src(%dma_wait3A_195 : memref<2x200xi32, #tpu.memory_space<hbm>>) dst(%arg5 : memref<2x200xi32, #tpu.memory_space<vmem>>)
      tpu.yield
    }) : () -> ()
    %dma_start3A = arith.constant 0 : i32
    %dma_start3A_5 = arith.constant 0 : i32
    %dma_start3A_6 = arith.constant 0 : i32
    %dma_start3A_7 = arith.constant 0 : i32
    %dma_start3A_8 = tpu.memref_slice %arg9[%dma_start3A_5, %dma_start3A_6, %dma_start3A_7] : memref<2x200x64xf32, #tpu.memory_space<vmem>> -> memref<1x128x64xf32, #tpu.memory_space<vmem>>
    %dma_start3A_9 = tpu.memref_squeeze %dma_start3A_8 : memref<1x128x64xf32, #tpu.memory_space<vmem>> -> memref<128x64xf32, #tpu.memory_space<vmem>>
    %dma_start3A_10 = arith.constant 0 : i32
    %dma_start3A_11 = tpu.memref_slice %arg5[%dma_start3A, %dma_start3A_10] : memref<2x200xi32, #tpu.memory_space<vmem>> -> memref<1x128xi32, #tpu.memory_space<vmem>>
    %dma_start3A_12 = tpu.memref_squeeze %dma_start3A_11 : memref<1x128xi32, #tpu.memory_space<vmem>> -> memref<128xi32, #tpu.memory_space<vmem>>
    %dma_start3A_13 = arith.constant 0 : i32
    %dma_start3A_14 = arith.constant 0 : i32
    %dma_start3A_15 = tpu.memref_slice %arg3[%dma_start3A_13, %dma_start3A_14] : memref<1000000x64xf32, #tpu.memory_space<hbm>> -> memref<1000000x64xf32, #tpu.memory_space<hbm>>
    tpu.enqueue_indirect_dma source(%dma_start3A_15 : memref<1000000x64xf32, #tpu.memory_space<hbm>>) target(%dma_start3A_9 : memref<128x64xf32, #tpu.memory_space<vmem>>) offsets(%dma_start3A_12 : memref<128xi32, #tpu.memory_space<vmem>>) semaphore(%arg13 : memref<!tpu.dma_semaphore, #tpu.memory_space<semaphore_mem>>)
    %dma_start3A_16 = arith.constant 0 : i32
    %dma_start3A_17 = arith.constant 0 : i32
    %dma_start3A_18 = arith.constant 128 : i32
    %dma_start3A_19 = arith.constant 0 : i32
    %dma_start3A_20 = tpu.memref_slice %arg9[%dma_start3A_17, %dma_start3A_18, %dma_start3A_19] : memref<2x200x64xf32, #tpu.memory_space<vmem>> -> memref<1x72x64xf32, #tpu.memory_space<vmem>>
    %dma_start3A_21 = tpu.memref_squeeze %dma_start3A_20 : memref<1x72x64xf32, #tpu.memory_space<vmem>> -> memref<72x64xf32, #tpu.memory_space<vmem>>
    %dma_start3A_22 = arith.constant 128 : i32
    %dma_start3A_23 = tpu.memref_slice %arg5[%dma_start3A_16, %dma_start3A_22] : memref<2x200xi32, #tpu.memory_space<vmem>> -> memref<1x72xi32, #tpu.memory_space<vmem>>
    %dma_start3A_24 = tpu.memref_squeeze %dma_start3A_23 : memref<1x72xi32, #tpu.memory_space<vmem>> -> memref<72xi32, #tpu.memory_space<vmem>>
    %dma_start3A_25 = arith.constant 0 : i32
    %dma_start3A_26 = arith.constant 0 : i32
    %dma_start3A_27 = tpu.memref_slice %arg3[%dma_start3A_25, %dma_start3A_26] : memref<1000000x64xf32, #tpu.memory_space<hbm>> -> memref<1000000x64xf32, #tpu.memory_space<hbm>>
    tpu.enqueue_indirect_dma source(%dma_start3A_27 : memref<1000000x64xf32, #tpu.memory_space<hbm>>) target(%dma_start3A_21 : memref<72x64xf32, #tpu.memory_space<vmem>>) offsets(%dma_start3A_24 : memref<72xi32, #tpu.memory_space<vmem>>) semaphore(%arg13 : memref<!tpu.dma_semaphore, #tpu.memory_space<semaphore_mem>>)
    %dma_start3A_28 = arith.constant 1 : i32
    %dma_start3A_29 = arith.constant 1 : i32
    %dma_start3A_30 = arith.constant 0 : i32
    %dma_start3A_31 = arith.constant 0 : i32
    %dma_start3A_32 = tpu.memref_slice %arg9[%dma_start3A_29, %dma_start3A_30, %dma_start3A_31] : memref<2x200x64xf32, #tpu.memory_space<vmem>> -> memref<1x128x64xf32, #tpu.memory_space<vmem>>
    %dma_start3A_33 = tpu.memref_squeeze %dma_start3A_32 : memref<1x128x64xf32, #tpu.memory_space<vmem>> -> memref<128x64xf32, #tpu.memory_space<vmem>>
    %dma_start3A_34 = arith.constant 0 : i32
    %dma_start3A_35 = tpu.memref_slice %arg5[%dma_start3A_28, %dma_start3A_34] : memref<2x200xi32, #tpu.memory_space<vmem>> -> memref<1x128xi32, #tpu.memory_space<vmem>>
    %dma_start3A_36 = tpu.memref_squeeze %dma_start3A_35 : memref<1x128xi32, #tpu.memory_space<vmem>> -> memref<128xi32, #tpu.memory_space<vmem>>
    %dma_start3A_37 = arith.constant 0 : i32
    %dma_start3A_38 = arith.constant 0 : i32
    %dma_start3A_39 = tpu.memref_slice %arg3[%dma_start3A_37, %dma_start3A_38] : memref<1000000x64xf32, #tpu.memory_space<hbm>> -> memref<1000000x64xf32, #tpu.memory_space<hbm>>
    tpu.enqueue_indirect_dma source(%dma_start3A_39 : memref<1000000x64xf32, #tpu.memory_space<hbm>>) target(%dma_start3A_33 : memref<128x64xf32, #tpu.memory_space<vmem>>) offsets(%dma_start3A_36 : memref<128xi32, #tpu.memory_space<vmem>>) semaphore(%arg13 : memref<!tpu.dma_semaphore, #tpu.memory_space<semaphore_mem>>)
    %dma_start3A_40 = arith.constant 1 : i32
    %dma_start3A_41 = arith.constant 1 : i32
    %dma_start3A_42 = arith.constant 128 : i32
    %dma_start3A_43 = arith.constant 0 : i32
    %dma_start3A_44 = tpu.memref_slice %arg9[%dma_start3A_41, %dma_start3A_42, %dma_start3A_43] : memref<2x200x64xf32, #tpu.memory_space<vmem>> -> memref<1x72x64xf32, #tpu.memory_space<vmem>>
    %dma_start3A_45 = tpu.memref_squeeze %dma_start3A_44 : memref<1x72x64xf32, #tpu.memory_space<vmem>> -> memref<72x64xf32, #tpu.memory_space<vmem>>
    %dma_start3A_46 = arith.constant 128 : i32
    %dma_start3A_47 = tpu.memref_slice %arg5[%dma_start3A_40, %dma_start3A_46] : memref<2x200xi32, #tpu.memory_space<vmem>> -> memref<1x72xi32, #tpu.memory_space<vmem>>
    %dma_start3A_48 = tpu.memref_squeeze %dma_start3A_47 : memref<1x72xi32, #tpu.memory_space<vmem>> -> memref<72xi32, #tpu.memory_space<vmem>>
    %dma_start3A_49 = arith.constant 0 : i32
    %dma_start3A_50 = arith.constant 0 : i32
    %dma_start3A_51 = tpu.memref_slice %arg3[%dma_start3A_49, %dma_start3A_50] : memref<1000000x64xf32, #tpu.memory_space<hbm>> -> memref<1000000x64xf32, #tpu.memory_space<hbm>>
    tpu.enqueue_indirect_dma source(%dma_start3A_51 : memref<1000000x64xf32, #tpu.memory_space<hbm>>) target(%dma_start3A_45 : memref<72x64xf32, #tpu.memory_space<vmem>>) offsets(%dma_start3A_48 : memref<72xi32, #tpu.memory_space<vmem>>) semaphore(%arg13 : memref<!tpu.dma_semaphore, #tpu.memory_space<semaphore_mem>>)
    %add3A_52 = arith.constant 2 : i32
    %add3A_53 = arith.addi %mul3A_2, %add3A_52 : i32
    "tpu.region"() ({
      %run_scoped3A = tpu.sem_alloc : memref<!tpu.dma_semaphore, #tpu.memory_space<semaphore_mem>>
      %dma_start3A_188 = arith.constant 0 : i32
      %dma_start3A_189 = tpu.memref_slice %arg2[%add3A_53, %dma_start3A_188] : memref<16384x200xi32, #tpu.memory_space<hbm>> -> memref<2x200xi32, #tpu.memory_space<hbm>>
      %dma_start3A_190 = arith.constant 0 : i32
      %dma_start3A_191 = tpu.memref_slice %arg2[%add3A_53, %dma_start3A_190] : memref<16384x200xi32, #tpu.memory_space<hbm>> -> memref<2x200xi32, #tpu.memory_space<hbm>>
      tpu.enqueue_dma source(%dma_start3A_191 : memref<2x200xi32, #tpu.memory_space<hbm>>) target(%arg6 : memref<2x200xi32, #tpu.memory_space<vmem>>) target_semaphore(%run_scoped3A : memref<!tpu.dma_semaphore, #tpu.memory_space<semaphore_mem>>)
      %dma_wait3A_192 = arith.constant 0 : i32
      %dma_wait3A_193 = tpu.memref_slice %arg2[%add3A_53, %dma_wait3A_192] : memref<16384x200xi32, #tpu.memory_space<hbm>> -> memref<2x200xi32, #tpu.memory_space<hbm>>
      %dma_wait3A_194 = arith.constant 0 : i32
      %dma_wait3A_195 = tpu.memref_slice %arg2[%add3A_53, %dma_wait3A_194] : memref<16384x200xi32, #tpu.memory_space<hbm>> -> memref<2x200xi32, #tpu.memory_space<hbm>>
      tpu.wait_dma2 semaphore(%run_scoped3A : memref<!tpu.dma_semaphore, #tpu.memory_space<semaphore_mem>>) src(%dma_wait3A_195 : memref<2x200xi32, #tpu.memory_space<hbm>>) dst(%arg6 : memref<2x200xi32, #tpu.memory_space<vmem>>)
      tpu.yield
    }) : () -> ()
    %dma_start3A_54 = arith.constant 0 : i32
    %dma_start3A_55 = arith.constant 0 : i32
    %dma_start3A_56 = arith.constant 0 : i32
    %dma_start3A_57 = arith.constant 0 : i32
    %dma_start3A_58 = tpu.memref_slice %arg10[%dma_start3A_55, %dma_start3A_56, %dma_start3A_57] : memref<2x200x64xf32, #tpu.memory_space<vmem>> -> memref<1x128x64xf32, #tpu.memory_space<vmem>>
    %dma_start3A_59 = tpu.memref_squeeze %dma_start3A_58 : memref<1x128x64xf32, #tpu.memory_space<vmem>> -> memref<128x64xf32, #tpu.memory_space<vmem>>
    %dma_start3A_60 = arith.constant 0 : i32
    %dma_start3A_61 = tpu.memref_slice %arg6[%dma_start3A_54, %dma_start3A_60] : memref<2x200xi32, #tpu.memory_space<vmem>> -> memref<1x128xi32, #tpu.memory_space<vmem>>
    %dma_start3A_62 = tpu.memref_squeeze %dma_start3A_61 : memref<1x128xi32, #tpu.memory_space<vmem>> -> memref<128xi32, #tpu.memory_space<vmem>>
    %dma_start3A_63 = arith.constant 0 : i32
    %dma_start3A_64 = arith.constant 0 : i32
    %dma_start3A_65 = tpu.memref_slice %arg3[%dma_start3A_63, %dma_start3A_64] : memref<1000000x64xf32, #tpu.memory_space<hbm>> -> memref<1000000x64xf32, #tpu.memory_space<hbm>>
    tpu.enqueue_indirect_dma source(%dma_start3A_65 : memref<1000000x64xf32, #tpu.memory_space<hbm>>) target(%dma_start3A_59 : memref<128x64xf32, #tpu.memory_space<vmem>>) offsets(%dma_start3A_62 : memref<128xi32, #tpu.memory_space<vmem>>) semaphore(%arg14 : memref<!tpu.dma_semaphore, #tpu.memory_space<semaphore_mem>>)
    %dma_start3A_66 = arith.constant 0 : i32
    %dma_start3A_67 = arith.constant 0 : i32
    %dma_start3A_68 = arith.constant 128 : i32
    %dma_start3A_69 = arith.constant 0 : i32
    %dma_start3A_70 = tpu.memref_slice %arg10[%dma_start3A_67, %dma_start3A_68, %dma_start3A_69] : memref<2x200x64xf32, #tpu.memory_space<vmem>> -> memref<1x72x64xf32, #tpu.memory_space<vmem>>
    %dma_start3A_71 = tpu.memref_squeeze %dma_start3A_70 : memref<1x72x64xf32, #tpu.memory_space<vmem>> -> memref<72x64xf32, #tpu.memory_space<vmem>>
    %dma_start3A_72 = arith.constant 128 : i32
    %dma_start3A_73 = tpu.memref_slice %arg6[%dma_start3A_66, %dma_start3A_72] : memref<2x200xi32, #tpu.memory_space<vmem>> -> memref<1x72xi32, #tpu.memory_space<vmem>>
    %dma_start3A_74 = tpu.memref_squeeze %dma_start3A_73 : memref<1x72xi32, #tpu.memory_space<vmem>> -> memref<72xi32, #tpu.memory_space<vmem>>
    %dma_start3A_75 = arith.constant 0 : i32
    %dma_start3A_76 = arith.constant 0 : i32
    %dma_start3A_77 = tpu.memref_slice %arg3[%dma_start3A_75, %dma_start3A_76] : memref<1000000x64xf32, #tpu.memory_space<hbm>> -> memref<1000000x64xf32, #tpu.memory_space<hbm>>
    tpu.enqueue_indirect_dma source(%dma_start3A_77 : memref<1000000x64xf32, #tpu.memory_space<hbm>>) target(%dma_start3A_71 : memref<72x64xf32, #tpu.memory_space<vmem>>) offsets(%dma_start3A_74 : memref<72xi32, #tpu.memory_space<vmem>>) semaphore(%arg14 : memref<!tpu.dma_semaphore, #tpu.memory_space<semaphore_mem>>)
    %dma_start3A_78 = arith.constant 1 : i32
    %dma_start3A_79 = arith.constant 1 : i32
    %dma_start3A_80 = arith.constant 0 : i32
    %dma_start3A_81 = arith.constant 0 : i32
    %dma_start3A_82 = tpu.memref_slice %arg10[%dma_start3A_79, %dma_start3A_80, %dma_start3A_81] : memref<2x200x64xf32, #tpu.memory_space<vmem>> -> memref<1x128x64xf32, #tpu.memory_space<vmem>>
    %dma_start3A_83 = tpu.memref_squeeze %dma_start3A_82 : memref<1x128x64xf32, #tpu.memory_space<vmem>> -> memref<128x64xf32, #tpu.memory_space<vmem>>
    %dma_start3A_84 = arith.constant 0 : i32
    %dma_start3A_85 = tpu.memref_slice %arg6[%dma_start3A_78, %dma_start3A_84] : memref<2x200xi32, #tpu.memory_space<vmem>> -> memref<1x128xi32, #tpu.memory_space<vmem>>
    %dma_start3A_86 = tpu.memref_squeeze %dma_start3A_85 : memref<1x128xi32, #tpu.memory_space<vmem>> -> memref<128xi32, #tpu.memory_space<vmem>>
    %dma_start3A_87 = arith.constant 0 : i32
    %dma_start3A_88 = arith.constant 0 : i32
    %dma_start3A_89 = tpu.memref_slice %arg3[%dma_start3A_87, %dma_start3A_88] : memref<1000000x64xf32, #tpu.memory_space<hbm>> -> memref<1000000x64xf32, #tpu.memory_space<hbm>>
    tpu.enqueue_indirect_dma source(%dma_start3A_89 : memref<1000000x64xf32, #tpu.memory_space<hbm>>) target(%dma_start3A_83 : memref<128x64xf32, #tpu.memory_space<vmem>>) offsets(%dma_start3A_86 : memref<128xi32, #tpu.memory_space<vmem>>) semaphore(%arg14 : memref<!tpu.dma_semaphore, #tpu.memory_space<semaphore_mem>>)
    %dma_start3A_90 = arith.constant 1 : i32
    %dma_start3A_91 = arith.constant 1 : i32
    %dma_start3A_92 = arith.constant 128 : i32
    %dma_start3A_93 = arith.constant 0 : i32
    %dma_start3A_94 = tpu.memref_slice %arg10[%dma_start3A_91, %dma_start3A_92, %dma_start3A_93] : memref<2x200x64xf32, #tpu.memory_space<vmem>> -> memref<1x72x64xf32, #tpu.memory_space<vmem>>
    %dma_start3A_95 = tpu.memref_squeeze %dma_start3A_94 : memref<1x72x64xf32, #tpu.memory_space<vmem>> -> memref<72x64xf32, #tpu.memory_space<vmem>>
    %dma_start3A_96 = arith.constant 128 : i32
    %dma_start3A_97 = tpu.memref_slice %arg6[%dma_start3A_90, %dma_start3A_96] : memref<2x200xi32, #tpu.memory_space<vmem>> -> memref<1x72xi32, #tpu.memory_space<vmem>>
    %dma_start3A_98 = tpu.memref_squeeze %dma_start3A_97 : memref<1x72xi32, #tpu.memory_space<vmem>> -> memref<72xi32, #tpu.memory_space<vmem>>
    %dma_start3A_99 = arith.constant 0 : i32
    %dma_start3A_100 = arith.constant 0 : i32
    %dma_start3A_101 = tpu.memref_slice %arg3[%dma_start3A_99, %dma_start3A_100] : memref<1000000x64xf32, #tpu.memory_space<hbm>> -> memref<1000000x64xf32, #tpu.memory_space<hbm>>
    tpu.enqueue_indirect_dma source(%dma_start3A_101 : memref<1000000x64xf32, #tpu.memory_space<hbm>>) target(%dma_start3A_95 : memref<72x64xf32, #tpu.memory_space<vmem>>) offsets(%dma_start3A_98 : memref<72xi32, #tpu.memory_space<vmem>>) semaphore(%arg14 : memref<!tpu.dma_semaphore, #tpu.memory_space<semaphore_mem>>)
    %add3A_102 = arith.constant 4 : i32
    %add3A_103 = arith.addi %mul3A_2, %add3A_102 : i32
    "tpu.region"() ({
      %run_scoped3A = tpu.sem_alloc : memref<!tpu.dma_semaphore, #tpu.memory_space<semaphore_mem>>
      %dma_start3A_188 = arith.constant 0 : i32
      %dma_start3A_189 = tpu.memref_slice %arg2[%add3A_103, %dma_start3A_188] : memref<16384x200xi32, #tpu.memory_space<hbm>> -> memref<2x200xi32, #tpu.memory_space<hbm>>
      %dma_start3A_190 = arith.constant 0 : i32
      %dma_start3A_191 = tpu.memref_slice %arg2[%add3A_103, %dma_start3A_190] : memref<16384x200xi32, #tpu.memory_space<hbm>> -> memref<2x200xi32, #tpu.memory_space<hbm>>
      tpu.enqueue_dma source(%dma_start3A_191 : memref<2x200xi32, #tpu.memory_space<hbm>>) target(%arg7 : memref<2x200xi32, #tpu.memory_space<vmem>>) target_semaphore(%run_scoped3A : memref<!tpu.dma_semaphore, #tpu.memory_space<semaphore_mem>>)
      %dma_wait3A_192 = arith.constant 0 : i32
      %dma_wait3A_193 = tpu.memref_slice %arg2[%add3A_103, %dma_wait3A_192] : memref<16384x200xi32, #tpu.memory_space<hbm>> -> memref<2x200xi32, #tpu.memory_space<hbm>>
      %dma_wait3A_194 = arith.constant 0 : i32
      %dma_wait3A_195 = tpu.memref_slice %arg2[%add3A_103, %dma_wait3A_194] : memref<16384x200xi32, #tpu.memory_space<hbm>> -> memref<2x200xi32, #tpu.memory_space<hbm>>
      tpu.wait_dma2 semaphore(%run_scoped3A : memref<!tpu.dma_semaphore, #tpu.memory_space<semaphore_mem>>) src(%dma_wait3A_195 : memref<2x200xi32, #tpu.memory_space<hbm>>) dst(%arg7 : memref<2x200xi32, #tpu.memory_space<vmem>>)
      tpu.yield
    }) : () -> ()
    %dma_start3A_104 = arith.constant 0 : i32
    %dma_start3A_105 = arith.constant 0 : i32
    %dma_start3A_106 = arith.constant 0 : i32
    %dma_start3A_107 = arith.constant 0 : i32
    %dma_start3A_108 = tpu.memref_slice %arg11[%dma_start3A_105, %dma_start3A_106, %dma_start3A_107] : memref<2x200x64xf32, #tpu.memory_space<vmem>> -> memref<1x128x64xf32, #tpu.memory_space<vmem>>
    %dma_start3A_109 = tpu.memref_squeeze %dma_start3A_108 : memref<1x128x64xf32, #tpu.memory_space<vmem>> -> memref<128x64xf32, #tpu.memory_space<vmem>>
    %dma_start3A_110 = arith.constant 0 : i32
    %dma_start3A_111 = tpu.memref_slice %arg7[%dma_start3A_104, %dma_start3A_110] : memref<2x200xi32, #tpu.memory_space<vmem>> -> memref<1x128xi32, #tpu.memory_space<vmem>>
    %dma_start3A_112 = tpu.memref_squeeze %dma_start3A_111 : memref<1x128xi32, #tpu.memory_space<vmem>> -> memref<128xi32, #tpu.memory_space<vmem>>
    %dma_start3A_113 = arith.constant 0 : i32
    %dma_start3A_114 = arith.constant 0 : i32
    %dma_start3A_115 = tpu.memref_slice %arg3[%dma_start3A_113, %dma_start3A_114] : memref<1000000x64xf32, #tpu.memory_space<hbm>> -> memref<1000000x64xf32, #tpu.memory_space<hbm>>
    tpu.enqueue_indirect_dma source(%dma_start3A_115 : memref<1000000x64xf32, #tpu.memory_space<hbm>>) target(%dma_start3A_109 : memref<128x64xf32, #tpu.memory_space<vmem>>) offsets(%dma_start3A_112 : memref<128xi32, #tpu.memory_space<vmem>>) semaphore(%arg15 : memref<!tpu.dma_semaphore, #tpu.memory_space<semaphore_mem>>)
    %dma_start3A_116 = arith.constant 0 : i32
    %dma_start3A_117 = arith.constant 0 : i32
    %dma_start3A_118 = arith.constant 128 : i32
    %dma_start3A_119 = arith.constant 0 : i32
    %dma_start3A_120 = tpu.memref_slice %arg11[%dma_start3A_117, %dma_start3A_118, %dma_start3A_119] : memref<2x200x64xf32, #tpu.memory_space<vmem>> -> memref<1x72x64xf32, #tpu.memory_space<vmem>>
    %dma_start3A_121 = tpu.memref_squeeze %dma_start3A_120 : memref<1x72x64xf32, #tpu.memory_space<vmem>> -> memref<72x64xf32, #tpu.memory_space<vmem>>
    %dma_start3A_122 = arith.constant 128 : i32
    %dma_start3A_123 = tpu.memref_slice %arg7[%dma_start3A_116, %dma_start3A_122] : memref<2x200xi32, #tpu.memory_space<vmem>> -> memref<1x72xi32, #tpu.memory_space<vmem>>
    %dma_start3A_124 = tpu.memref_squeeze %dma_start3A_123 : memref<1x72xi32, #tpu.memory_space<vmem>> -> memref<72xi32, #tpu.memory_space<vmem>>
    %dma_start3A_125 = arith.constant 0 : i32
    %dma_start3A_126 = arith.constant 0 : i32
    %dma_start3A_127 = tpu.memref_slice %arg3[%dma_start3A_125, %dma_start3A_126] : memref<1000000x64xf32, #tpu.memory_space<hbm>> -> memref<1000000x64xf32, #tpu.memory_space<hbm>>
    tpu.enqueue_indirect_dma source(%dma_start3A_127 : memref<1000000x64xf32, #tpu.memory_space<hbm>>) target(%dma_start3A_121 : memref<72x64xf32, #tpu.memory_space<vmem>>) offsets(%dma_start3A_124 : memref<72xi32, #tpu.memory_space<vmem>>) semaphore(%arg15 : memref<!tpu.dma_semaphore, #tpu.memory_space<semaphore_mem>>)
    %dma_start3A_128 = arith.constant 1 : i32
    %dma_start3A_129 = arith.constant 1 : i32
    %dma_start3A_130 = arith.constant 0 : i32
    %dma_start3A_131 = arith.constant 0 : i32
    %dma_start3A_132 = tpu.memref_slice %arg11[%dma_start3A_129, %dma_start3A_130, %dma_start3A_131] : memref<2x200x64xf32, #tpu.memory_space<vmem>> -> memref<1x128x64xf32, #tpu.memory_space<vmem>>
    %dma_start3A_133 = tpu.memref_squeeze %dma_start3A_132 : memref<1x128x64xf32, #tpu.memory_space<vmem>> -> memref<128x64xf32, #tpu.memory_space<vmem>>
    %dma_start3A_134 = arith.constant 0 : i32
    %dma_start3A_135 = tpu.memref_slice %arg7[%dma_start3A_128, %dma_start3A_134] : memref<2x200xi32, #tpu.memory_space<vmem>> -> memref<1x128xi32, #tpu.memory_space<vmem>>
    %dma_start3A_136 = tpu.memref_squeeze %dma_start3A_135 : memref<1x128xi32, #tpu.memory_space<vmem>> -> memref<128xi32, #tpu.memory_space<vmem>>
    %dma_start3A_137 = arith.constant 0 : i32
    %dma_start3A_138 = arith.constant 0 : i32
    %dma_start3A_139 = tpu.memref_slice %arg3[%dma_start3A_137, %dma_start3A_138] : memref<1000000x64xf32, #tpu.memory_space<hbm>> -> memref<1000000x64xf32, #tpu.memory_space<hbm>>
    tpu.enqueue_indirect_dma source(%dma_start3A_139 : memref<1000000x64xf32, #tpu.memory_space<hbm>>) target(%dma_start3A_133 : memref<128x64xf32, #tpu.memory_space<vmem>>) offsets(%dma_start3A_136 : memref<128xi32, #tpu.memory_space<vmem>>) semaphore(%arg15 : memref<!tpu.dma_semaphore, #tpu.memory_space<semaphore_mem>>)
    %dma_start3A_140 = arith.constant 1 : i32
    %dma_start3A_141 = arith.constant 1 : i32
    %dma_start3A_142 = arith.constant 128 : i32
    %dma_start3A_143 = arith.constant 0 : i32
    %dma_start3A_144 = tpu.memref_slice %arg11[%dma_start3A_141, %dma_start3A_142, %dma_start3A_143] : memref<2x200x64xf32, #tpu.memory_space<vmem>> -> memref<1x72x64xf32, #tpu.memory_space<vmem>>
    %dma_start3A_145 = tpu.memref_squeeze %dma_start3A_144 : memref<1x72x64xf32, #tpu.memory_space<vmem>> -> memref<72x64xf32, #tpu.memory_space<vmem>>
    %dma_start3A_146 = arith.constant 128 : i32
    %dma_start3A_147 = tpu.memref_slice %arg7[%dma_start3A_140, %dma_start3A_146] : memref<2x200xi32, #tpu.memory_space<vmem>> -> memref<1x72xi32, #tpu.memory_space<vmem>>
    %dma_start3A_148 = tpu.memref_squeeze %dma_start3A_147 : memref<1x72xi32, #tpu.memory_space<vmem>> -> memref<72xi32, #tpu.memory_space<vmem>>
    %dma_start3A_149 = arith.constant 0 : i32
    %dma_start3A_150 = arith.constant 0 : i32
    %dma_start3A_151 = tpu.memref_slice %arg3[%dma_start3A_149, %dma_start3A_150] : memref<1000000x64xf32, #tpu.memory_space<hbm>> -> memref<1000000x64xf32, #tpu.memory_space<hbm>>
    tpu.enqueue_indirect_dma source(%dma_start3A_151 : memref<1000000x64xf32, #tpu.memory_space<hbm>>) target(%dma_start3A_145 : memref<72x64xf32, #tpu.memory_space<vmem>>) offsets(%dma_start3A_148 : memref<72xi32, #tpu.memory_space<vmem>>) semaphore(%arg15 : memref<!tpu.dma_semaphore, #tpu.memory_space<semaphore_mem>>)
    %scan3A = arith.constant 0 : i32
    %scan3A_152 = arith.constant 0 : i32
    %scan3A_153 = arith.constant 64 : i32
    %scan3A_154 = arith.addi %scan3A_152, %scan3A_153 : i32
    %scan3A_155 = arith.constant 1 : i32
    scf.for %scan3A_188 = %scan3A_152 to %scan3A_154 step %scan3A_155  : i32 {
      %mul3A_189 = arith.constant 4 : i32
      %mul3A_190 = arith.muli %mul3A_189, %scan3A_188 : i32
      %add3A_191 = arith.constant 0 : i32
      %add3A_192 = arith.addi %mul3A_190, %add3A_191 : i32
      %dma_wait3A_193 = arith.constant 0 : i32
      %dma_wait3A_194 = arith.constant 0 : i32
      %dma_wait3A_195 = arith.constant 0 : i32
      %dma_wait3A_196 = tpu.memref_slice %arg4[%dma_wait3A_193, %dma_wait3A_194, %dma_wait3A_195] : memref<16384x200x128xf32, #tpu.memory_space<hbm>> -> memref<2x200x64xf32, #tpu.memory_space<hbm>>
      %dma_wait3A_197 = arith.constant 0 : i32
      %dma_wait3A_198 = arith.constant 0 : i32
      %dma_wait3A_199 = arith.constant 0 : i32
      %dma_wait3A_200 = tpu.memref_slice %arg4[%dma_wait3A_197, %dma_wait3A_198, %dma_wait3A_199] : memref<16384x200x128xf32, #tpu.memory_space<hbm>> -> memref<2x200x64xf32, #tpu.memory_space<hbm>>
      tpu.wait_dma2 semaphore(%arg13 : memref<!tpu.dma_semaphore, #tpu.memory_space<semaphore_mem>>) src(%dma_wait3A_200 : memref<2x200x64xf32, #tpu.memory_space<hbm>>) dst(%arg9 : memref<2x200x64xf32, #tpu.memory_space<vmem>>)
      %mul3A_201 = arith.constant 2 : i32
      %mul3A_202 = arith.muli %add3A_192, %mul3A_201 : i32
      %add3A_203 = arith.addi %mul3A_2, %mul3A_202 : i32
      %dma_start3A_204 = arith.constant 0 : i32
      %dma_start3A_205 = arith.constant 0 : i32
      %dma_start3A_206 = tpu.memref_slice %arg4[%add3A_203, %dma_start3A_204, %dma_start3A_205] : memref<16384x200x128xf32, #tpu.memory_space<hbm>> -> memref<2x200x64xf32, #tpu.memory_space<hbm>>
      %dma_start3A_207 = arith.constant 0 : i32
      %dma_start3A_208 = arith.constant 0 : i32
      %dma_start3A_209 = tpu.memref_slice %arg4[%add3A_203, %dma_start3A_207, %dma_start3A_208] : memref<16384x200x128xf32, #tpu.memory_space<hbm>> -> memref<2x200x64xf32, #tpu.memory_space<hbm>>
      tpu.enqueue_dma source(%arg9 : memref<2x200x64xf32, #tpu.memory_space<vmem>>) target(%dma_start3A_209 : memref<2x200x64xf32, #tpu.memory_space<hbm>>) target_semaphore(%arg17 : memref<!tpu.dma_semaphore, #tpu.memory_space<semaphore_mem>>)
      %add3A_210 = arith.constant 4 : i32
      %add3A_211 = arith.addi %add3A_192, %add3A_210 : i32
      %sub3A = arith.constant 1 : i32
      %sub3A_212 = arith.subi %add3A_211, %sub3A : i32
      %lt3A = arith.constant 256 : i32
      %lt3A_213 = arith.cmpi slt, %sub3A_212, %lt3A : i32
      %convert_element_type3A = arith.extui %lt3A_213 : i1 to i32
      %cond3A = arith.constant 0 : i32
      %cond3A_214 = arith.cmpi ne, %convert_element_type3A, %cond3A : i32
      scf.if %cond3A_214 {
        %ge3A = arith.constant 4 : i32
        %ge3A_305 = arith.cmpi sge, %sub3A_212, %ge3A : i32
        %convert_element_type3A_306 = arith.extui %ge3A_305 : i1 to i32
        %cond3A_307 = arith.constant 0 : i32
        %cond3A_308 = arith.cmpi ne, %convert_element_type3A_306, %cond3A_307 : i32
        scf.if %cond3A_308 {
          %dma_wait3A_360 = arith.constant 0 : i32
          %dma_wait3A_361 = arith.constant 0 : i32
          %dma_wait3A_362 = arith.constant 0 : i32
          %dma_wait3A_363 = tpu.memref_slice %arg4[%dma_wait3A_360, %dma_wait3A_361, %dma_wait3A_362] : memref<16384x200x128xf32, #tpu.memory_space<hbm>> -> memref<2x200x64xf32, #tpu.memory_space<hbm>>
          %dma_wait3A_364 = arith.constant 0 : i32
          %dma_wait3A_365 = arith.constant 0 : i32
          %dma_wait3A_366 = arith.constant 0 : i32
          %dma_wait3A_367 = tpu.memref_slice %arg4[%dma_wait3A_364, %dma_wait3A_365, %dma_wait3A_366] : memref<16384x200x128xf32, #tpu.memory_space<hbm>> -> memref<2x200x64xf32, #tpu.memory_space<hbm>>
          tpu.wait_dma2 semaphore(%arg20 : memref<!tpu.dma_semaphore, #tpu.memory_space<semaphore_mem>>) src(%dma_wait3A_367 : memref<2x200x64xf32, #tpu.memory_space<hbm>>) dst(%arg12 : memref<2x200x64xf32, #tpu.memory_space<vmem>>)
        } else {
        }
        %mul3A_309 = arith.constant 2 : i32
        %mul3A_310 = arith.muli %sub3A_212, %mul3A_309 : i32
        %add3A_311 = arith.addi %mul3A_2, %mul3A_310 : i32
        "tpu.region"() ({
          %run_scoped3A = tpu.sem_alloc : memref<!tpu.dma_semaphore, #tpu.memory_space<semaphore_mem>>
          %dma_start3A_360 = arith.constant 0 : i32
          %dma_start3A_361 = tpu.memref_slice %arg2[%add3A_311, %dma_start3A_360] : memref<16384x200xi32, #tpu.memory_space<hbm>> -> memref<2x200xi32, #tpu.memory_space<hbm>>
          %dma_start3A_362 = arith.constant 0 : i32
          %dma_start3A_363 = tpu.memref_slice %arg2[%add3A_311, %dma_start3A_362] : memref<16384x200xi32, #tpu.memory_space<hbm>> -> memref<2x200xi32, #tpu.memory_space<hbm>>
          tpu.enqueue_dma source(%dma_start3A_363 : memref<2x200xi32, #tpu.memory_space<hbm>>) target(%arg8 : memref<2x200xi32, #tpu.memory_space<vmem>>) target_semaphore(%run_scoped3A : memref<!tpu.dma_semaphore, #tpu.memory_space<semaphore_mem>>)
          %dma_wait3A_364 = arith.constant 0 : i32
          %dma_wait3A_365 = tpu.memref_slice %arg2[%add3A_311, %dma_wait3A_364] : memref<16384x200xi32, #tpu.memory_space<hbm>> -> memref<2x200xi32, #tpu.memory_space<hbm>>
          %dma_wait3A_366 = arith.constant 0 : i32
          %dma_wait3A_367 = tpu.memref_slice %arg2[%add3A_311, %dma_wait3A_366] : memref<16384x200xi32, #tpu.memory_space<hbm>> -> memref<2x200xi32, #tpu.memory_space<hbm>>
          tpu.wait_dma2 semaphore(%run_scoped3A : memref<!tpu.dma_semaphore, #tpu.memory_space<semaphore_mem>>) src(%dma_wait3A_367 : memref<2x200xi32, #tpu.memory_space<hbm>>) dst(%arg8 : memref<2x200xi32, #tpu.memory_space<vmem>>)
          tpu.yield
        }) : () -> ()
        %dma_start3A_312 = arith.constant 0 : i32
        %dma_start3A_313 = arith.constant 0 : i32
        %dma_start3A_314 = arith.constant 0 : i32
        %dma_start3A_315 = arith.constant 0 : i32
        %dma_start3A_316 = tpu.memref_slice %arg12[%dma_start3A_313, %dma_start3A_314, %dma_start3A_315] : memref<2x200x64xf32, #tpu.memory_space<vmem>> -> memref<1x128x64xf32, #tpu.memory_space<vmem>>
        %dma_start3A_317 = tpu.memref_squeeze %dma_start3A_316 : memref<1x128x64xf32, #tpu.memory_space<vmem>> -> memref<128x64xf32, #tpu.memory_space<vmem>>
        %dma_start3A_318 = arith.constant 0 : i32
        %dma_start3A_319 = tpu.memref_slice %arg8[%dma_start3A_312, %dma_start3A_318] : memref<2x200xi32, #tpu.memory_space<vmem>> -> memref<1x128xi32, #tpu.memory_space<vmem>>
        %dma_start3A_320 = tpu.memref_squeeze %dma_start3A_319 : memref<1x128xi32, #tpu.memory_space<vmem>> -> memref<128xi32, #tpu.memory_space<vmem>>
        %dma_start3A_321 = arith.constant 0 : i32
        %dma_start3A_322 = arith.constant 0 : i32
        %dma_start3A_323 = tpu.memref_slice %arg3[%dma_start3A_321, %dma_start3A_322] : memref<1000000x64xf32, #tpu.memory_space<hbm>> -> memref<1000000x64xf32, #tpu.memory_space<hbm>>
        tpu.enqueue_indirect_dma source(%dma_start3A_323 : memref<1000000x64xf32, #tpu.memory_space<hbm>>) target(%dma_start3A_317 : memref<128x64xf32, #tpu.memory_space<vmem>>) offsets(%dma_start3A_320 : memref<128xi32, #tpu.memory_space<vmem>>) semaphore(%arg16 : memref<!tpu.dma_semaphore, #tpu.memory_space<semaphore_mem>>)
        %dma_start3A_324 = arith.constant 0 : i32
        %dma_start3A_325 = arith.constant 0 : i32
        %dma_start3A_326 = arith.constant 128 : i32
        %dma_start3A_327 = arith.constant 0 : i32
        %dma_start3A_328 = tpu.memref_slice %arg12[%dma_start3A_325, %dma_start3A_326, %dma_start3A_327] : memref<2x200x64xf32, #tpu.memory_space<vmem>> -> memref<1x72x64xf32, #tpu.memory_space<vmem>>
        %dma_start3A_329 = tpu.memref_squeeze %dma_start3A_328 : memref<1x72x64xf32, #tpu.memory_space<vmem>> -> memref<72x64xf32, #tpu.memory_space<vmem>>
        %dma_start3A_330 = arith.constant 128 : i32
        %dma_start3A_331 = tpu.memref_slice %arg8[%dma_start3A_324, %dma_start3A_330] : memref<2x200xi32, #tpu.memory_space<vmem>> -> memref<1x72xi32, #tpu.memory_space<vmem>>
        %dma_start3A_332 = tpu.memref_squeeze %dma_start3A_331 : memref<1x72xi32, #tpu.memory_space<vmem>> -> memref<72xi32, #tpu.memory_space<vmem>>
        %dma_start3A_333 = arith.constant 0 : i32
        %dma_start3A_334 = arith.constant 0 : i32
        %dma_start3A_335 = tpu.memref_slice %arg3[%dma_start3A_333, %dma_start3A_334] : memref<1000000x64xf32, #tpu.memory_space<hbm>> -> memref<1000000x64xf32, #tpu.memory_space<hbm>>
        tpu.enqueue_indirect_dma source(%dma_start3A_335 : memref<1000000x64xf32, #tpu.memory_space<hbm>>) target(%dma_start3A_329 : memref<72x64xf32, #tpu.memory_space<vmem>>) offsets(%dma_start3A_332 : memref<72xi32, #tpu.memory_space<vmem>>) semaphore(%arg16 : memref<!tpu.dma_semaphore, #tpu.memory_space<semaphore_mem>>)
        %dma_start3A_336 = arith.constant 1 : i32
        %dma_start3A_337 = arith.constant 1 : i32
        %dma_start3A_338 = arith.constant 0 : i32
        %dma_start3A_339 = arith.constant 0 : i32
        %dma_start3A_340 = tpu.memref_slice %arg12[%dma_start3A_337, %dma_start3A_338, %dma_start3A_339] : memref<2x200x64xf32, #tpu.memory_space<vmem>> -> memref<1x128x64xf32, #tpu.memory_space<vmem>>
        %dma_start3A_341 = tpu.memref_squeeze %dma_start3A_340 : memref<1x128x64xf32, #tpu.memory_space<vmem>> -> memref<128x64xf32, #tpu.memory_space<vmem>>
        %dma_start3A_342 = arith.constant 0 : i32
        %dma_start3A_343 = tpu.memref_slice %arg8[%dma_start3A_336, %dma_start3A_342] : memref<2x200xi32, #tpu.memory_space<vmem>> -> memref<1x128xi32, #tpu.memory_space<vmem>>
        %dma_start3A_344 = tpu.memref_squeeze %dma_start3A_343 : memref<1x128xi32, #tpu.memory_space<vmem>> -> memref<128xi32, #tpu.memory_space<vmem>>
        %dma_start3A_345 = arith.constant 0 : i32
        %dma_start3A_346 = arith.constant 0 : i32
        %dma_start3A_347 = tpu.memref_slice %arg3[%dma_start3A_345, %dma_start3A_346] : memref<1000000x64xf32, #tpu.memory_space<hbm>> -> memref<1000000x64xf32, #tpu.memory_space<hbm>>
        tpu.enqueue_indirect_dma source(%dma_start3A_347 : memref<1000000x64xf32, #tpu.memory_space<hbm>>) target(%dma_start3A_341 : memref<128x64xf32, #tpu.memory_space<vmem>>) offsets(%dma_start3A_344 : memref<128xi32, #tpu.memory_space<vmem>>) semaphore(%arg16 : memref<!tpu.dma_semaphore, #tpu.memory_space<semaphore_mem>>)
        %dma_start3A_348 = arith.constant 1 : i32
        %dma_start3A_349 = arith.constant 1 : i32
        %dma_start3A_350 = arith.constant 128 : i32
        %dma_start3A_351 = arith.constant 0 : i32
        %dma_start3A_352 = tpu.memref_slice %arg12[%dma_start3A_349, %dma_start3A_350, %dma_start3A_351] : memref<2x200x64xf32, #tpu.memory_space<vmem>> -> memref<1x72x64xf32, #tpu.memory_space<vmem>>
        %dma_start3A_353 = tpu.memref_squeeze %dma_start3A_352 : memref<1x72x64xf32, #tpu.memory_space<vmem>> -> memref<72x64xf32, #tpu.memory_space<vmem>>
        %dma_start3A_354 = arith.constant 128 : i32
        %dma_start3A_355 = tpu.memref_slice %arg8[%dma_start3A_348, %dma_start3A_354] : memref<2x200xi32, #tpu.memory_space<vmem>> -> memref<1x72xi32, #tpu.memory_space<vmem>>
        %dma_start3A_356 = tpu.memref_squeeze %dma_start3A_355 : memref<1x72xi32, #tpu.memory_space<vmem>> -> memref<72xi32, #tpu.memory_space<vmem>>
        %dma_start3A_357 = arith.constant 0 : i32
        %dma_start3A_358 = arith.constant 0 : i32
        %dma_start3A_359 = tpu.memref_slice %arg3[%dma_start3A_357, %dma_start3A_358] : memref<1000000x64xf32, #tpu.memory_space<hbm>> -> memref<1000000x64xf32, #tpu.memory_space<hbm>>
        tpu.enqueue_indirect_dma source(%dma_start3A_359 : memref<1000000x64xf32, #tpu.memory_space<hbm>>) target(%dma_start3A_353 : memref<72x64xf32, #tpu.memory_space<vmem>>) offsets(%dma_start3A_356 : memref<72xi32, #tpu.memory_space<vmem>>) semaphore(%arg16 : memref<!tpu.dma_semaphore, #tpu.memory_space<semaphore_mem>>)
      } else {
      }
      %mul3A_215 = arith.constant 4 : i32
      %mul3A_216 = arith.muli %mul3A_215, %scan3A_188 : i32
      %add3A_217 = arith.constant 1 : i32
      %add3A_218 = arith.addi %mul3A_216, %add3A_217 : i32
      %dma_wait3A_219 = arith.constant 0 : i32
      %dma_wait3A_220 = arith.constant 0 : i32
      %dma_wait3A_221 = arith.constant 0 : i32
      %dma_wait3A_222 = tpu.memref_slice %arg4[%dma_wait3A_219, %dma_wait3A_220, %dma_wait3A_221] : memref<16384x200x128xf32, #tpu.memory_space<hbm>> -> memref<2x200x64xf32, #tpu.memory_space<hbm>>
      %dma_wait3A_223 = arith.constant 0 : i32
      %dma_wait3A_224 = arith.constant 0 : i32
      %dma_wait3A_225 = arith.constant 0 : i32
      %dma_wait3A_226 = tpu.memref_slice %arg4[%dma_wait3A_223, %dma_wait3A_224, %dma_wait3A_225] : memref<16384x200x128xf32, #tpu.memory_space<hbm>> -> memref<2x200x64xf32, #tpu.memory_space<hbm>>
      tpu.wait_dma2 semaphore(%arg14 : memref<!tpu.dma_semaphore, #tpu.memory_space<semaphore_mem>>) src(%dma_wait3A_226 : memref<2x200x64xf32, #tpu.memory_space<hbm>>) dst(%arg10 : memref<2x200x64xf32, #tpu.memory_space<vmem>>)
      %mul3A_227 = arith.constant 2 : i32
      %mul3A_228 = arith.muli %add3A_218, %mul3A_227 : i32
      %add3A_229 = arith.addi %mul3A_2, %mul3A_228 : i32
      %dma_start3A_230 = arith.constant 0 : i32
      %dma_start3A_231 = arith.constant 0 : i32
      %dma_start3A_232 = tpu.memref_slice %arg4[%add3A_229, %dma_start3A_230, %dma_start3A_231] : memref<16384x200x128xf32, #tpu.memory_space<hbm>> -> memref<2x200x64xf32, #tpu.memory_space<hbm>>
      %dma_start3A_233 = arith.constant 0 : i32
      %dma_start3A_234 = arith.constant 0 : i32
      %dma_start3A_235 = tpu.memref_slice %arg4[%add3A_229, %dma_start3A_233, %dma_start3A_234] : memref<16384x200x128xf32, #tpu.memory_space<hbm>> -> memref<2x200x64xf32, #tpu.memory_space<hbm>>
      tpu.enqueue_dma source(%arg10 : memref<2x200x64xf32, #tpu.memory_space<vmem>>) target(%dma_start3A_235 : memref<2x200x64xf32, #tpu.memory_space<hbm>>) target_semaphore(%arg18 : memref<!tpu.dma_semaphore, #tpu.memory_space<semaphore_mem>>)
      %add3A_236 = arith.constant 4 : i32
      %add3A_237 = arith.addi %add3A_218, %add3A_236 : i32
      %sub3A_238 = arith.constant 1 : i32
      %sub3A_239 = arith.subi %add3A_237, %sub3A_238 : i32
      %lt3A_240 = arith.constant 256 : i32
      %lt3A_241 = arith.cmpi slt, %sub3A_239, %lt3A_240 : i32
      %convert_element_type3A_242 = arith.extui %lt3A_241 : i1 to i32
      %cond3A_243 = arith.constant 0 : i32
      %cond3A_244 = arith.cmpi ne, %convert_element_type3A_242, %cond3A_243 : i32
      scf.if %cond3A_244 {
        %ge3A = arith.constant 4 : i32
        %ge3A_305 = arith.cmpi sge, %sub3A_239, %ge3A : i32
        %convert_element_type3A_306 = arith.extui %ge3A_305 : i1 to i32
        %cond3A_307 = arith.constant 0 : i32
        %cond3A_308 = arith.cmpi ne, %convert_element_type3A_306, %cond3A_307 : i32
        scf.if %cond3A_308 {
          %dma_wait3A_360 = arith.constant 0 : i32
          %dma_wait3A_361 = arith.constant 0 : i32
          %dma_wait3A_362 = arith.constant 0 : i32
          %dma_wait3A_363 = tpu.memref_slice %arg4[%dma_wait3A_360, %dma_wait3A_361, %dma_wait3A_362] : memref<16384x200x128xf32, #tpu.memory_space<hbm>> -> memref<2x200x64xf32, #tpu.memory_space<hbm>>
          %dma_wait3A_364 = arith.constant 0 : i32
          %dma_wait3A_365 = arith.constant 0 : i32
          %dma_wait3A_366 = arith.constant 0 : i32
          %dma_wait3A_367 = tpu.memref_slice %arg4[%dma_wait3A_364, %dma_wait3A_365, %dma_wait3A_366] : memref<16384x200x128xf32, #tpu.memory_space<hbm>> -> memref<2x200x64xf32, #tpu.memory_space<hbm>>
          tpu.wait_dma2 semaphore(%arg17 : memref<!tpu.dma_semaphore, #tpu.memory_space<semaphore_mem>>) src(%dma_wait3A_367 : memref<2x200x64xf32, #tpu.memory_space<hbm>>) dst(%arg9 : memref<2x200x64xf32, #tpu.memory_space<vmem>>)
        } else {
        }
        %mul3A_309 = arith.constant 2 : i32
        %mul3A_310 = arith.muli %sub3A_239, %mul3A_309 : i32
        %add3A_311 = arith.addi %mul3A_2, %mul3A_310 : i32
        "tpu.region"() ({
          %run_scoped3A = tpu.sem_alloc : memref<!tpu.dma_semaphore, #tpu.memory_space<semaphore_mem>>
          %dma_start3A_360 = arith.constant 0 : i32
          %dma_start3A_361 = tpu.memref_slice %arg2[%add3A_311, %dma_start3A_360] : memref<16384x200xi32, #tpu.memory_space<hbm>> -> memref<2x200xi32, #tpu.memory_space<hbm>>
          %dma_start3A_362 = arith.constant 0 : i32
          %dma_start3A_363 = tpu.memref_slice %arg2[%add3A_311, %dma_start3A_362] : memref<16384x200xi32, #tpu.memory_space<hbm>> -> memref<2x200xi32, #tpu.memory_space<hbm>>
          tpu.enqueue_dma source(%dma_start3A_363 : memref<2x200xi32, #tpu.memory_space<hbm>>) target(%arg5 : memref<2x200xi32, #tpu.memory_space<vmem>>) target_semaphore(%run_scoped3A : memref<!tpu.dma_semaphore, #tpu.memory_space<semaphore_mem>>)
          %dma_wait3A_364 = arith.constant 0 : i32
          %dma_wait3A_365 = tpu.memref_slice %arg2[%add3A_311, %dma_wait3A_364] : memref<16384x200xi32, #tpu.memory_space<hbm>> -> memref<2x200xi32, #tpu.memory_space<hbm>>
          %dma_wait3A_366 = arith.constant 0 : i32
          %dma_wait3A_367 = tpu.memref_slice %arg2[%add3A_311, %dma_wait3A_366] : memref<16384x200xi32, #tpu.memory_space<hbm>> -> memref<2x200xi32, #tpu.memory_space<hbm>>
          tpu.wait_dma2 semaphore(%run_scoped3A : memref<!tpu.dma_semaphore, #tpu.memory_space<semaphore_mem>>) src(%dma_wait3A_367 : memref<2x200xi32, #tpu.memory_space<hbm>>) dst(%arg5 : memref<2x200xi32, #tpu.memory_space<vmem>>)
          tpu.yield
        }) : () -> ()
        %dma_start3A_312 = arith.constant 0 : i32
        %dma_start3A_313 = arith.constant 0 : i32
        %dma_start3A_314 = arith.constant 0 : i32
        %dma_start3A_315 = arith.constant 0 : i32
        %dma_start3A_316 = tpu.memref_slice %arg9[%dma_start3A_313, %dma_start3A_314, %dma_start3A_315] : memref<2x200x64xf32, #tpu.memory_space<vmem>> -> memref<1x128x64xf32, #tpu.memory_space<vmem>>
        %dma_start3A_317 = tpu.memref_squeeze %dma_start3A_316 : memref<1x128x64xf32, #tpu.memory_space<vmem>> -> memref<128x64xf32, #tpu.memory_space<vmem>>
        %dma_start3A_318 = arith.constant 0 : i32
        %dma_start3A_319 = tpu.memref_slice %arg5[%dma_start3A_312, %dma_start3A_318] : memref<2x200xi32, #tpu.memory_space<vmem>> -> memref<1x128xi32, #tpu.memory_space<vmem>>
        %dma_start3A_320 = tpu.memref_squeeze %dma_start3A_319 : memref<1x128xi32, #tpu.memory_space<vmem>> -> memref<128xi32, #tpu.memory_space<vmem>>
        %dma_start3A_321 = arith.constant 0 : i32
        %dma_start3A_322 = arith.constant 0 : i32
        %dma_start3A_323 = tpu.memref_slice %arg3[%dma_start3A_321, %dma_start3A_322] : memref<1000000x64xf32, #tpu.memory_space<hbm>> -> memref<1000000x64xf32, #tpu.memory_space<hbm>>
        tpu.enqueue_indirect_dma source(%dma_start3A_323 : memref<1000000x64xf32, #tpu.memory_space<hbm>>) target(%dma_start3A_317 : memref<128x64xf32, #tpu.memory_space<vmem>>) offsets(%dma_start3A_320 : memref<128xi32, #tpu.memory_space<vmem>>) semaphore(%arg13 : memref<!tpu.dma_semaphore, #tpu.memory_space<semaphore_mem>>)
        %dma_start3A_324 = arith.constant 0 : i32
        %dma_start3A_325 = arith.constant 0 : i32
        %dma_start3A_326 = arith.constant 128 : i32
        %dma_start3A_327 = arith.constant 0 : i32
        %dma_start3A_328 = tpu.memref_slice %arg9[%dma_start3A_325, %dma_start3A_326, %dma_start3A_327] : memref<2x200x64xf32, #tpu.memory_space<vmem>> -> memref<1x72x64xf32, #tpu.memory_space<vmem>>
        %dma_start3A_329 = tpu.memref_squeeze %dma_start3A_328 : memref<1x72x64xf32, #tpu.memory_space<vmem>> -> memref<72x64xf32, #tpu.memory_space<vmem>>
        %dma_start3A_330 = arith.constant 128 : i32
        %dma_start3A_331 = tpu.memref_slice %arg5[%dma_start3A_324, %dma_start3A_330] : memref<2x200xi32, #tpu.memory_space<vmem>> -> memref<1x72xi32, #tpu.memory_space<vmem>>
        %dma_start3A_332 = tpu.memref_squeeze %dma_start3A_331 : memref<1x72xi32, #tpu.memory_space<vmem>> -> memref<72xi32, #tpu.memory_space<vmem>>
        %dma_start3A_333 = arith.constant 0 : i32
        %dma_start3A_334 = arith.constant 0 : i32
        %dma_start3A_335 = tpu.memref_slice %arg3[%dma_start3A_333, %dma_start3A_334] : memref<1000000x64xf32, #tpu.memory_space<hbm>> -> memref<1000000x64xf32, #tpu.memory_space<hbm>>
        tpu.enqueue_indirect_dma source(%dma_start3A_335 : memref<1000000x64xf32, #tpu.memory_space<hbm>>) target(%dma_start3A_329 : memref<72x64xf32, #tpu.memory_space<vmem>>) offsets(%dma_start3A_332 : memref<72xi32, #tpu.memory_space<vmem>>) semaphore(%arg13 : memref<!tpu.dma_semaphore, #tpu.memory_space<semaphore_mem>>)
        %dma_start3A_336 = arith.constant 1 : i32
        %dma_start3A_337 = arith.constant 1 : i32
        %dma_start3A_338 = arith.constant 0 : i32
        %dma_start3A_339 = arith.constant 0 : i32
        %dma_start3A_340 = tpu.memref_slice %arg9[%dma_start3A_337, %dma_start3A_338, %dma_start3A_339] : memref<2x200x64xf32, #tpu.memory_space<vmem>> -> memref<1x128x64xf32, #tpu.memory_space<vmem>>
        %dma_start3A_341 = tpu.memref_squeeze %dma_start3A_340 : memref<1x128x64xf32, #tpu.memory_space<vmem>> -> memref<128x64xf32, #tpu.memory_space<vmem>>
        %dma_start3A_342 = arith.constant 0 : i32
        %dma_start3A_343 = tpu.memref_slice %arg5[%dma_start3A_336, %dma_start3A_342] : memref<2x200xi32, #tpu.memory_space<vmem>> -> memref<1x128xi32, #tpu.memory_space<vmem>>
        %dma_start3A_344 = tpu.memref_squeeze %dma_start3A_343 : memref<1x128xi32, #tpu.memory_space<vmem>> -> memref<128xi32, #tpu.memory_space<vmem>>
        %dma_start3A_345 = arith.constant 0 : i32
        %dma_start3A_346 = arith.constant 0 : i32
        %dma_start3A_347 = tpu.memref_slice %arg3[%dma_start3A_345, %dma_start3A_346] : memref<1000000x64xf32, #tpu.memory_space<hbm>> -> memref<1000000x64xf32, #tpu.memory_space<hbm>>
        tpu.enqueue_indirect_dma source(%dma_start3A_347 : memref<1000000x64xf32, #tpu.memory_space<hbm>>) target(%dma_start3A_341 : memref<128x64xf32, #tpu.memory_space<vmem>>) offsets(%dma_start3A_344 : memref<128xi32, #tpu.memory_space<vmem>>) semaphore(%arg13 : memref<!tpu.dma_semaphore, #tpu.memory_space<semaphore_mem>>)
        %dma_start3A_348 = arith.constant 1 : i32
        %dma_start3A_349 = arith.constant 1 : i32
        %dma_start3A_350 = arith.constant 128 : i32
        %dma_start3A_351 = arith.constant 0 : i32
        %dma_start3A_352 = tpu.memref_slice %arg9[%dma_start3A_349, %dma_start3A_350, %dma_start3A_351] : memref<2x200x64xf32, #tpu.memory_space<vmem>> -> memref<1x72x64xf32, #tpu.memory_space<vmem>>
        %dma_start3A_353 = tpu.memref_squeeze %dma_start3A_352 : memref<1x72x64xf32, #tpu.memory_space<vmem>> -> memref<72x64xf32, #tpu.memory_space<vmem>>
        %dma_start3A_354 = arith.constant 128 : i32
        %dma_start3A_355 = tpu.memref_slice %arg5[%dma_start3A_348, %dma_start3A_354] : memref<2x200xi32, #tpu.memory_space<vmem>> -> memref<1x72xi32, #tpu.memory_space<vmem>>
        %dma_start3A_356 = tpu.memref_squeeze %dma_start3A_355 : memref<1x72xi32, #tpu.memory_space<vmem>> -> memref<72xi32, #tpu.memory_space<vmem>>
        %dma_start3A_357 = arith.constant 0 : i32
        %dma_start3A_358 = arith.constant 0 : i32
        %dma_start3A_359 = tpu.memref_slice %arg3[%dma_start3A_357, %dma_start3A_358] : memref<1000000x64xf32, #tpu.memory_space<hbm>> -> memref<1000000x64xf32, #tpu.memory_space<hbm>>
        tpu.enqueue_indirect_dma source(%dma_start3A_359 : memref<1000000x64xf32, #tpu.memory_space<hbm>>) target(%dma_start3A_353 : memref<72x64xf32, #tpu.memory_space<vmem>>) offsets(%dma_start3A_356 : memref<72xi32, #tpu.memory_space<vmem>>) semaphore(%arg13 : memref<!tpu.dma_semaphore, #tpu.memory_space<semaphore_mem>>)
      } else {
      }
      %mul3A_245 = arith.constant 4 : i32
      %mul3A_246 = arith.muli %mul3A_245, %scan3A_188 : i32
      %add3A_247 = arith.constant 2 : i32
      %add3A_248 = arith.addi %mul3A_246, %add3A_247 : i32
      %dma_wait3A_249 = arith.constant 0 : i32
      %dma_wait3A_250 = arith.constant 0 : i32
      %dma_wait3A_251 = arith.constant 0 : i32
      %dma_wait3A_252 = tpu.memref_slice %arg4[%dma_wait3A_249, %dma_wait3A_250, %dma_wait3A_251] : memref<16384x200x128xf32, #tpu.memory_space<hbm>> -> memref<2x200x64xf32, #tpu.memory_space<hbm>>
      %dma_wait3A_253 = arith.constant 0 : i32
      %dma_wait3A_254 = arith.constant 0 : i32
      %dma_wait3A_255 = arith.constant 0 : i32
      %dma_wait3A_256 = tpu.memref_slice %arg4[%dma_wait3A_253, %dma_wait3A_254, %dma_wait3A_255] : memref<16384x200x128xf32, #tpu.memory_space<hbm>> -> memref<2x200x64xf32, #tpu.memory_space<hbm>>
      tpu.wait_dma2 semaphore(%arg15 : memref<!tpu.dma_semaphore, #tpu.memory_space<semaphore_mem>>) src(%dma_wait3A_256 : memref<2x200x64xf32, #tpu.memory_space<hbm>>) dst(%arg11 : memref<2x200x64xf32, #tpu.memory_space<vmem>>)
      %mul3A_257 = arith.constant 2 : i32
      %mul3A_258 = arith.muli %add3A_248, %mul3A_257 : i32
      %add3A_259 = arith.addi %mul3A_2, %mul3A_258 : i32
      %dma_start3A_260 = arith.constant 0 : i32
      %dma_start3A_261 = arith.constant 0 : i32
      %dma_start3A_262 = tpu.memref_slice %arg4[%add3A_259, %dma_start3A_260, %dma_start3A_261] : memref<16384x200x128xf32, #tpu.memory_space<hbm>> -> memref<2x200x64xf32, #tpu.memory_space<hbm>>
      %dma_start3A_263 = arith.constant 0 : i32
      %dma_start3A_264 = arith.constant 0 : i32
      %dma_start3A_265 = tpu.memref_slice %arg4[%add3A_259, %dma_start3A_263, %dma_start3A_264] : memref<16384x200x128xf32, #tpu.memory_space<hbm>> -> memref<2x200x64xf32, #tpu.memory_space<hbm>>
      tpu.enqueue_dma source(%arg11 : memref<2x200x64xf32, #tpu.memory_space<vmem>>) target(%dma_start3A_265 : memref<2x200x64xf32, #tpu.memory_space<hbm>>) target_semaphore(%arg19 : memref<!tpu.dma_semaphore, #tpu.memory_space<semaphore_mem>>)
      %add3A_266 = arith.constant 4 : i32
      %add3A_267 = arith.addi %add3A_248, %add3A_266 : i32
      %sub3A_268 = arith.constant 1 : i32
      %sub3A_269 = arith.subi %add3A_267, %sub3A_268 : i32
      %lt3A_270 = arith.constant 256 : i32
      %lt3A_271 = arith.cmpi slt, %sub3A_269, %lt3A_270 : i32
      %convert_element_type3A_272 = arith.extui %lt3A_271 : i1 to i32
      %cond3A_273 = arith.constant 0 : i32
      %cond3A_274 = arith.cmpi ne, %convert_element_type3A_272, %cond3A_273 : i32
      scf.if %cond3A_274 {
        %ge3A = arith.constant 4 : i32
        %ge3A_305 = arith.cmpi sge, %sub3A_269, %ge3A : i32
        %convert_element_type3A_306 = arith.extui %ge3A_305 : i1 to i32
        %cond3A_307 = arith.constant 0 : i32
        %cond3A_308 = arith.cmpi ne, %convert_element_type3A_306, %cond3A_307 : i32
        scf.if %cond3A_308 {
          %dma_wait3A_360 = arith.constant 0 : i32
          %dma_wait3A_361 = arith.constant 0 : i32
          %dma_wait3A_362 = arith.constant 0 : i32
          %dma_wait3A_363 = tpu.memref_slice %arg4[%dma_wait3A_360, %dma_wait3A_361, %dma_wait3A_362] : memref<16384x200x128xf32, #tpu.memory_space<hbm>> -> memref<2x200x64xf32, #tpu.memory_space<hbm>>
          %dma_wait3A_364 = arith.constant 0 : i32
          %dma_wait3A_365 = arith.constant 0 : i32
          %dma_wait3A_366 = arith.constant 0 : i32
          %dma_wait3A_367 = tpu.memref_slice %arg4[%dma_wait3A_364, %dma_wait3A_365, %dma_wait3A_366] : memref<16384x200x128xf32, #tpu.memory_space<hbm>> -> memref<2x200x64xf32, #tpu.memory_space<hbm>>
          tpu.wait_dma2 semaphore(%arg18 : memref<!tpu.dma_semaphore, #tpu.memory_space<semaphore_mem>>) src(%dma_wait3A_367 : memref<2x200x64xf32, #tpu.memory_space<hbm>>) dst(%arg10 : memref<2x200x64xf32, #tpu.memory_space<vmem>>)
        } else {
        }
        %mul3A_309 = arith.constant 2 : i32
        %mul3A_310 = arith.muli %sub3A_269, %mul3A_309 : i32
        %add3A_311 = arith.addi %mul3A_2, %mul3A_310 : i32
        "tpu.region"() ({
          %run_scoped3A = tpu.sem_alloc : memref<!tpu.dma_semaphore, #tpu.memory_space<semaphore_mem>>
          %dma_start3A_360 = arith.constant 0 : i32
          %dma_start3A_361 = tpu.memref_slice %arg2[%add3A_311, %dma_start3A_360] : memref<16384x200xi32, #tpu.memory_space<hbm>> -> memref<2x200xi32, #tpu.memory_space<hbm>>
          %dma_start3A_362 = arith.constant 0 : i32
          %dma_start3A_363 = tpu.memref_slice %arg2[%add3A_311, %dma_start3A_362] : memref<16384x200xi32, #tpu.memory_space<hbm>> -> memref<2x200xi32, #tpu.memory_space<hbm>>
          tpu.enqueue_dma source(%dma_start3A_363 : memref<2x200xi32, #tpu.memory_space<hbm>>) target(%arg6 : memref<2x200xi32, #tpu.memory_space<vmem>>) target_semaphore(%run_scoped3A : memref<!tpu.dma_semaphore, #tpu.memory_space<semaphore_mem>>)
          %dma_wait3A_364 = arith.constant 0 : i32
          %dma_wait3A_365 = tpu.memref_slice %arg2[%add3A_311, %dma_wait3A_364] : memref<16384x200xi32, #tpu.memory_space<hbm>> -> memref<2x200xi32, #tpu.memory_space<hbm>>
          %dma_wait3A_366 = arith.constant 0 : i32
          %dma_wait3A_367 = tpu.memref_slice %arg2[%add3A_311, %dma_wait3A_366] : memref<16384x200xi32, #tpu.memory_space<hbm>> -> memref<2x200xi32, #tpu.memory_space<hbm>>
          tpu.wait_dma2 semaphore(%run_scoped3A : memref<!tpu.dma_semaphore, #tpu.memory_space<semaphore_mem>>) src(%dma_wait3A_367 : memref<2x200xi32, #tpu.memory_space<hbm>>) dst(%arg6 : memref<2x200xi32, #tpu.memory_space<vmem>>)
          tpu.yield
        }) : () -> ()
        %dma_start3A_312 = arith.constant 0 : i32
        %dma_start3A_313 = arith.constant 0 : i32
        %dma_start3A_314 = arith.constant 0 : i32
        %dma_start3A_315 = arith.constant 0 : i32
        %dma_start3A_316 = tpu.memref_slice %arg10[%dma_start3A_313, %dma_start3A_314, %dma_start3A_315] : memref<2x200x64xf32, #tpu.memory_space<vmem>> -> memref<1x128x64xf32, #tpu.memory_space<vmem>>
        %dma_start3A_317 = tpu.memref_squeeze %dma_start3A_316 : memref<1x128x64xf32, #tpu.memory_space<vmem>> -> memref<128x64xf32, #tpu.memory_space<vmem>>
        %dma_start3A_318 = arith.constant 0 : i32
        %dma_start3A_319 = tpu.memref_slice %arg6[%dma_start3A_312, %dma_start3A_318] : memref<2x200xi32, #tpu.memory_space<vmem>> -> memref<1x128xi32, #tpu.memory_space<vmem>>
        %dma_start3A_320 = tpu.memref_squeeze %dma_start3A_319 : memref<1x128xi32, #tpu.memory_space<vmem>> -> memref<128xi32, #tpu.memory_space<vmem>>
        %dma_start3A_321 = arith.constant 0 : i32
        %dma_start3A_322 = arith.constant 0 : i32
        %dma_start3A_323 = tpu.memref_slice %arg3[%dma_start3A_321, %dma_start3A_322] : memref<1000000x64xf32, #tpu.memory_space<hbm>> -> memref<1000000x64xf32, #tpu.memory_space<hbm>>
        tpu.enqueue_indirect_dma source(%dma_start3A_323 : memref<1000000x64xf32, #tpu.memory_space<hbm>>) target(%dma_start3A_317 : memref<128x64xf32, #tpu.memory_space<vmem>>) offsets(%dma_start3A_320 : memref<128xi32, #tpu.memory_space<vmem>>) semaphore(%arg14 : memref<!tpu.dma_semaphore, #tpu.memory_space<semaphore_mem>>)
        %dma_start3A_324 = arith.constant 0 : i32
        %dma_start3A_325 = arith.constant 0 : i32
        %dma_start3A_326 = arith.constant 128 : i32
        %dma_start3A_327 = arith.constant 0 : i32
        %dma_start3A_328 = tpu.memref_slice %arg10[%dma_start3A_325, %dma_start3A_326, %dma_start3A_327] : memref<2x200x64xf32, #tpu.memory_space<vmem>> -> memref<1x72x64xf32, #tpu.memory_space<vmem>>
        %dma_start3A_329 = tpu.memref_squeeze %dma_start3A_328 : memref<1x72x64xf32, #tpu.memory_space<vmem>> -> memref<72x64xf32, #tpu.memory_space<vmem>>
        %dma_start3A_330 = arith.constant 128 : i32
        %dma_start3A_331 = tpu.memref_slice %arg6[%dma_start3A_324, %dma_start3A_330] : memref<2x200xi32, #tpu.memory_space<vmem>> -> memref<1x72xi32, #tpu.memory_space<vmem>>
        %dma_start3A_332 = tpu.memref_squeeze %dma_start3A_331 : memref<1x72xi32, #tpu.memory_space<vmem>> -> memref<72xi32, #tpu.memory_space<vmem>>
        %dma_start3A_333 = arith.constant 0 : i32
        %dma_start3A_334 = arith.constant 0 : i32
        %dma_start3A_335 = tpu.memref_slice %arg3[%dma_start3A_333, %dma_start3A_334] : memref<1000000x64xf32, #tpu.memory_space<hbm>> -> memref<1000000x64xf32, #tpu.memory_space<hbm>>
        tpu.enqueue_indirect_dma source(%dma_start3A_335 : memref<1000000x64xf32, #tpu.memory_space<hbm>>) target(%dma_start3A_329 : memref<72x64xf32, #tpu.memory_space<vmem>>) offsets(%dma_start3A_332 : memref<72xi32, #tpu.memory_space<vmem>>) semaphore(%arg14 : memref<!tpu.dma_semaphore, #tpu.memory_space<semaphore_mem>>)
        %dma_start3A_336 = arith.constant 1 : i32
        %dma_start3A_337 = arith.constant 1 : i32
        %dma_start3A_338 = arith.constant 0 : i32
        %dma_start3A_339 = arith.constant 0 : i32
        %dma_start3A_340 = tpu.memref_slice %arg10[%dma_start3A_337, %dma_start3A_338, %dma_start3A_339] : memref<2x200x64xf32, #tpu.memory_space<vmem>> -> memref<1x128x64xf32, #tpu.memory_space<vmem>>
        %dma_start3A_341 = tpu.memref_squeeze %dma_start3A_340 : memref<1x128x64xf32, #tpu.memory_space<vmem>> -> memref<128x64xf32, #tpu.memory_space<vmem>>
        %dma_start3A_342 = arith.constant 0 : i32
        %dma_start3A_343 = tpu.memref_slice %arg6[%dma_start3A_336, %dma_start3A_342] : memref<2x200xi32, #tpu.memory_space<vmem>> -> memref<1x128xi32, #tpu.memory_space<vmem>>
        %dma_start3A_344 = tpu.memref_squeeze %dma_start3A_343 : memref<1x128xi32, #tpu.memory_space<vmem>> -> memref<128xi32, #tpu.memory_space<vmem>>
        %dma_start3A_345 = arith.constant 0 : i32
        %dma_start3A_346 = arith.constant 0 : i32
        %dma_start3A_347 = tpu.memref_slice %arg3[%dma_start3A_345, %dma_start3A_346] : memref<1000000x64xf32, #tpu.memory_space<hbm>> -> memref<1000000x64xf32, #tpu.memory_space<hbm>>
        tpu.enqueue_indirect_dma source(%dma_start3A_347 : memref<1000000x64xf32, #tpu.memory_space<hbm>>) target(%dma_start3A_341 : memref<128x64xf32, #tpu.memory_space<vmem>>) offsets(%dma_start3A_344 : memref<128xi32, #tpu.memory_space<vmem>>) semaphore(%arg14 : memref<!tpu.dma_semaphore, #tpu.memory_space<semaphore_mem>>)
        %dma_start3A_348 = arith.constant 1 : i32
        %dma_start3A_349 = arith.constant 1 : i32
        %dma_start3A_350 = arith.constant 128 : i32
        %dma_start3A_351 = arith.constant 0 : i32
        %dma_start3A_352 = tpu.memref_slice %arg10[%dma_start3A_349, %dma_start3A_350, %dma_start3A_351] : memref<2x200x64xf32, #tpu.memory_space<vmem>> -> memref<1x72x64xf32, #tpu.memory_space<vmem>>
        %dma_start3A_353 = tpu.memref_squeeze %dma_start3A_352 : memref<1x72x64xf32, #tpu.memory_space<vmem>> -> memref<72x64xf32, #tpu.memory_space<vmem>>
        %dma_start3A_354 = arith.constant 128 : i32
        %dma_start3A_355 = tpu.memref_slice %arg6[%dma_start3A_348, %dma_start3A_354] : memref<2x200xi32, #tpu.memory_space<vmem>> -> memref<1x72xi32, #tpu.memory_space<vmem>>
        %dma_start3A_356 = tpu.memref_squeeze %dma_start3A_355 : memref<1x72xi32, #tpu.memory_space<vmem>> -> memref<72xi32, #tpu.memory_space<vmem>>
        %dma_start3A_357 = arith.constant 0 : i32
        %dma_start3A_358 = arith.constant 0 : i32
        %dma_start3A_359 = tpu.memref_slice %arg3[%dma_start3A_357, %dma_start3A_358] : memref<1000000x64xf32, #tpu.memory_space<hbm>> -> memref<1000000x64xf32, #tpu.memory_space<hbm>>
        tpu.enqueue_indirect_dma source(%dma_start3A_359 : memref<1000000x64xf32, #tpu.memory_space<hbm>>) target(%dma_start3A_353 : memref<72x64xf32, #tpu.memory_space<vmem>>) offsets(%dma_start3A_356 : memref<72xi32, #tpu.memory_space<vmem>>) semaphore(%arg14 : memref<!tpu.dma_semaphore, #tpu.memory_space<semaphore_mem>>)
      } else {
      }
      %mul3A_275 = arith.constant 4 : i32
      %mul3A_276 = arith.muli %mul3A_275, %scan3A_188 : i32
      %add3A_277 = arith.constant 3 : i32
      %add3A_278 = arith.addi %mul3A_276, %add3A_277 : i32
      %dma_wait3A_279 = arith.constant 0 : i32
      %dma_wait3A_280 = arith.constant 0 : i32
      %dma_wait3A_281 = arith.constant 0 : i32
      %dma_wait3A_282 = tpu.memref_slice %arg4[%dma_wait3A_279, %dma_wait3A_280, %dma_wait3A_281] : memref<16384x200x128xf32, #tpu.memory_space<hbm>> -> memref<2x200x64xf32, #tpu.memory_space<hbm>>
      %dma_wait3A_283 = arith.constant 0 : i32
      %dma_wait3A_284 = arith.constant 0 : i32
      %dma_wait3A_285 = arith.constant 0 : i32
      %dma_wait3A_286 = tpu.memref_slice %arg4[%dma_wait3A_283, %dma_wait3A_284, %dma_wait3A_285] : memref<16384x200x128xf32, #tpu.memory_space<hbm>> -> memref<2x200x64xf32, #tpu.memory_space<hbm>>
      tpu.wait_dma2 semaphore(%arg16 : memref<!tpu.dma_semaphore, #tpu.memory_space<semaphore_mem>>) src(%dma_wait3A_286 : memref<2x200x64xf32, #tpu.memory_space<hbm>>) dst(%arg12 : memref<2x200x64xf32, #tpu.memory_space<vmem>>)
      %mul3A_287 = arith.constant 2 : i32
      %mul3A_288 = arith.muli %add3A_278, %mul3A_287 : i32
      %add3A_289 = arith.addi %mul3A_2, %mul3A_288 : i32
      %dma_start3A_290 = arith.constant 0 : i32
      %dma_start3A_291 = arith.constant 0 : i32
      %dma_start3A_292 = tpu.memref_slice %arg4[%add3A_289, %dma_start3A_290, %dma_start3A_291] : memref<16384x200x128xf32, #tpu.memory_space<hbm>> -> memref<2x200x64xf32, #tpu.memory_space<hbm>>
      %dma_start3A_293 = arith.constant 0 : i32
      %dma_start3A_294 = arith.constant 0 : i32
      %dma_start3A_295 = tpu.memref_slice %arg4[%add3A_289, %dma_start3A_293, %dma_start3A_294] : memref<16384x200x128xf32, #tpu.memory_space<hbm>> -> memref<2x200x64xf32, #tpu.memory_space<hbm>>
      tpu.enqueue_dma source(%arg12 : memref<2x200x64xf32, #tpu.memory_space<vmem>>) target(%dma_start3A_295 : memref<2x200x64xf32, #tpu.memory_space<hbm>>) target_semaphore(%arg20 : memref<!tpu.dma_semaphore, #tpu.memory_space<semaphore_mem>>)
      %add3A_296 = arith.constant 4 : i32
      %add3A_297 = arith.addi %add3A_278, %add3A_296 : i32
      %sub3A_298 = arith.constant 1 : i32
      %sub3A_299 = arith.subi %add3A_297, %sub3A_298 : i32
      %lt3A_300 = arith.constant 256 : i32
      %lt3A_301 = arith.cmpi slt, %sub3A_299, %lt3A_300 : i32
      %convert_element_type3A_302 = arith.extui %lt3A_301 : i1 to i32
      %cond3A_303 = arith.constant 0 : i32
      %cond3A_304 = arith.cmpi ne, %convert_element_type3A_302, %cond3A_303 : i32
      scf.if %cond3A_304 {
        %ge3A = arith.constant 4 : i32
        %ge3A_305 = arith.cmpi sge, %sub3A_299, %ge3A : i32
        %convert_element_type3A_306 = arith.extui %ge3A_305 : i1 to i32
        %cond3A_307 = arith.constant 0 : i32
        %cond3A_308 = arith.cmpi ne, %convert_element_type3A_306, %cond3A_307 : i32
        scf.if %cond3A_308 {
          %dma_wait3A_360 = arith.constant 0 : i32
          %dma_wait3A_361 = arith.constant 0 : i32
          %dma_wait3A_362 = arith.constant 0 : i32
          %dma_wait3A_363 = tpu.memref_slice %arg4[%dma_wait3A_360, %dma_wait3A_361, %dma_wait3A_362] : memref<16384x200x128xf32, #tpu.memory_space<hbm>> -> memref<2x200x64xf32, #tpu.memory_space<hbm>>
          %dma_wait3A_364 = arith.constant 0 : i32
          %dma_wait3A_365 = arith.constant 0 : i32
          %dma_wait3A_366 = arith.constant 0 : i32
          %dma_wait3A_367 = tpu.memref_slice %arg4[%dma_wait3A_364, %dma_wait3A_365, %dma_wait3A_366] : memref<16384x200x128xf32, #tpu.memory_space<hbm>> -> memref<2x200x64xf32, #tpu.memory_space<hbm>>
          tpu.wait_dma2 semaphore(%arg19 : memref<!tpu.dma_semaphore, #tpu.memory_space<semaphore_mem>>) src(%dma_wait3A_367 : memref<2x200x64xf32, #tpu.memory_space<hbm>>) dst(%arg11 : memref<2x200x64xf32, #tpu.memory_space<vmem>>)
        } else {
        }
        %mul3A_309 = arith.constant 2 : i32
        %mul3A_310 = arith.muli %sub3A_299, %mul3A_309 : i32
        %add3A_311 = arith.addi %mul3A_2, %mul3A_310 : i32
        "tpu.region"() ({
          %run_scoped3A = tpu.sem_alloc : memref<!tpu.dma_semaphore, #tpu.memory_space<semaphore_mem>>
          %dma_start3A_360 = arith.constant 0 : i32
          %dma_start3A_361 = tpu.memref_slice %arg2[%add3A_311, %dma_start3A_360] : memref<16384x200xi32, #tpu.memory_space<hbm>> -> memref<2x200xi32, #tpu.memory_space<hbm>>
          %dma_start3A_362 = arith.constant 0 : i32
          %dma_start3A_363 = tpu.memref_slice %arg2[%add3A_311, %dma_start3A_362] : memref<16384x200xi32, #tpu.memory_space<hbm>> -> memref<2x200xi32, #tpu.memory_space<hbm>>
          tpu.enqueue_dma source(%dma_start3A_363 : memref<2x200xi32, #tpu.memory_space<hbm>>) target(%arg7 : memref<2x200xi32, #tpu.memory_space<vmem>>) target_semaphore(%run_scoped3A : memref<!tpu.dma_semaphore, #tpu.memory_space<semaphore_mem>>)
          %dma_wait3A_364 = arith.constant 0 : i32
          %dma_wait3A_365 = tpu.memref_slice %arg2[%add3A_311, %dma_wait3A_364] : memref<16384x200xi32, #tpu.memory_space<hbm>> -> memref<2x200xi32, #tpu.memory_space<hbm>>
          %dma_wait3A_366 = arith.constant 0 : i32
          %dma_wait3A_367 = tpu.memref_slice %arg2[%add3A_311, %dma_wait3A_366] : memref<16384x200xi32, #tpu.memory_space<hbm>> -> memref<2x200xi32, #tpu.memory_space<hbm>>
          tpu.wait_dma2 semaphore(%run_scoped3A : memref<!tpu.dma_semaphore, #tpu.memory_space<semaphore_mem>>) src(%dma_wait3A_367 : memref<2x200xi32, #tpu.memory_space<hbm>>) dst(%arg7 : memref<2x200xi32, #tpu.memory_space<vmem>>)
          tpu.yield
        }) : () -> ()
        %dma_start3A_312 = arith.constant 0 : i32
        %dma_start3A_313 = arith.constant 0 : i32
        %dma_start3A_314 = arith.constant 0 : i32
        %dma_start3A_315 = arith.constant 0 : i32
        %dma_start3A_316 = tpu.memref_slice %arg11[%dma_start3A_313, %dma_start3A_314, %dma_start3A_315] : memref<2x200x64xf32, #tpu.memory_space<vmem>> -> memref<1x128x64xf32, #tpu.memory_space<vmem>>
        %dma_start3A_317 = tpu.memref_squeeze %dma_start3A_316 : memref<1x128x64xf32, #tpu.memory_space<vmem>> -> memref<128x64xf32, #tpu.memory_space<vmem>>
        %dma_start3A_318 = arith.constant 0 : i32
        %dma_start3A_319 = tpu.memref_slice %arg7[%dma_start3A_312, %dma_start3A_318] : memref<2x200xi32, #tpu.memory_space<vmem>> -> memref<1x128xi32, #tpu.memory_space<vmem>>
        %dma_start3A_320 = tpu.memref_squeeze %dma_start3A_319 : memref<1x128xi32, #tpu.memory_space<vmem>> -> memref<128xi32, #tpu.memory_space<vmem>>
        %dma_start3A_321 = arith.constant 0 : i32
        %dma_start3A_322 = arith.constant 0 : i32
        %dma_start3A_323 = tpu.memref_slice %arg3[%dma_start3A_321, %dma_start3A_322] : memref<1000000x64xf32, #tpu.memory_space<hbm>> -> memref<1000000x64xf32, #tpu.memory_space<hbm>>
        tpu.enqueue_indirect_dma source(%dma_start3A_323 : memref<1000000x64xf32, #tpu.memory_space<hbm>>) target(%dma_start3A_317 : memref<128x64xf32, #tpu.memory_space<vmem>>) offsets(%dma_start3A_320 : memref<128xi32, #tpu.memory_space<vmem>>) semaphore(%arg15 : memref<!tpu.dma_semaphore, #tpu.memory_space<semaphore_mem>>)
        %dma_start3A_324 = arith.constant 0 : i32
        %dma_start3A_325 = arith.constant 0 : i32
        %dma_start3A_326 = arith.constant 128 : i32
        %dma_start3A_327 = arith.constant 0 : i32
        %dma_start3A_328 = tpu.memref_slice %arg11[%dma_start3A_325, %dma_start3A_326, %dma_start3A_327] : memref<2x200x64xf32, #tpu.memory_space<vmem>> -> memref<1x72x64xf32, #tpu.memory_space<vmem>>
        %dma_start3A_329 = tpu.memref_squeeze %dma_start3A_328 : memref<1x72x64xf32, #tpu.memory_space<vmem>> -> memref<72x64xf32, #tpu.memory_space<vmem>>
        %dma_start3A_330 = arith.constant 128 : i32
        %dma_start3A_331 = tpu.memref_slice %arg7[%dma_start3A_324, %dma_start3A_330] : memref<2x200xi32, #tpu.memory_space<vmem>> -> memref<1x72xi32, #tpu.memory_space<vmem>>
        %dma_start3A_332 = tpu.memref_squeeze %dma_start3A_331 : memref<1x72xi32, #tpu.memory_space<vmem>> -> memref<72xi32, #tpu.memory_space<vmem>>
        %dma_start3A_333 = arith.constant 0 : i32
        %dma_start3A_334 = arith.constant 0 : i32
        %dma_start3A_335 = tpu.memref_slice %arg3[%dma_start3A_333, %dma_start3A_334] : memref<1000000x64xf32, #tpu.memory_space<hbm>> -> memref<1000000x64xf32, #tpu.memory_space<hbm>>
        tpu.enqueue_indirect_dma source(%dma_start3A_335 : memref<1000000x64xf32, #tpu.memory_space<hbm>>) target(%dma_start3A_329 : memref<72x64xf32, #tpu.memory_space<vmem>>) offsets(%dma_start3A_332 : memref<72xi32, #tpu.memory_space<vmem>>) semaphore(%arg15 : memref<!tpu.dma_semaphore, #tpu.memory_space<semaphore_mem>>)
        %dma_start3A_336 = arith.constant 1 : i32
        %dma_start3A_337 = arith.constant 1 : i32
        %dma_start3A_338 = arith.constant 0 : i32
        %dma_start3A_339 = arith.constant 0 : i32
        %dma_start3A_340 = tpu.memref_slice %arg11[%dma_start3A_337, %dma_start3A_338, %dma_start3A_339] : memref<2x200x64xf32, #tpu.memory_space<vmem>> -> memref<1x128x64xf32, #tpu.memory_space<vmem>>
        %dma_start3A_341 = tpu.memref_squeeze %dma_start3A_340 : memref<1x128x64xf32, #tpu.memory_space<vmem>> -> memref<128x64xf32, #tpu.memory_space<vmem>>
        %dma_start3A_342 = arith.constant 0 : i32
        %dma_start3A_343 = tpu.memref_slice %arg7[%dma_start3A_336, %dma_start3A_342] : memref<2x200xi32, #tpu.memory_space<vmem>> -> memref<1x128xi32, #tpu.memory_space<vmem>>
        %dma_start3A_344 = tpu.memref_squeeze %dma_start3A_343 : memref<1x128xi32, #tpu.memory_space<vmem>> -> memref<128xi32, #tpu.memory_space<vmem>>
        %dma_start3A_345 = arith.constant 0 : i32
        %dma_start3A_346 = arith.constant 0 : i32
        %dma_start3A_347 = tpu.memref_slice %arg3[%dma_start3A_345, %dma_start3A_346] : memref<1000000x64xf32, #tpu.memory_space<hbm>> -> memref<1000000x64xf32, #tpu.memory_space<hbm>>
        tpu.enqueue_indirect_dma source(%dma_start3A_347 : memref<1000000x64xf32, #tpu.memory_space<hbm>>) target(%dma_start3A_341 : memref<128x64xf32, #tpu.memory_space<vmem>>) offsets(%dma_start3A_344 : memref<128xi32, #tpu.memory_space<vmem>>) semaphore(%arg15 : memref<!tpu.dma_semaphore, #tpu.memory_space<semaphore_mem>>)
        %dma_start3A_348 = arith.constant 1 : i32
        %dma_start3A_349 = arith.constant 1 : i32
        %dma_start3A_350 = arith.constant 128 : i32
        %dma_start3A_351 = arith.constant 0 : i32
        %dma_start3A_352 = tpu.memref_slice %arg11[%dma_start3A_349, %dma_start3A_350, %dma_start3A_351] : memref<2x200x64xf32, #tpu.memory_space<vmem>> -> memref<1x72x64xf32, #tpu.memory_space<vmem>>
        %dma_start3A_353 = tpu.memref_squeeze %dma_start3A_352 : memref<1x72x64xf32, #tpu.memory_space<vmem>> -> memref<72x64xf32, #tpu.memory_space<vmem>>
        %dma_start3A_354 = arith.constant 128 : i32
        %dma_start3A_355 = tpu.memref_slice %arg7[%dma_start3A_348, %dma_start3A_354] : memref<2x200xi32, #tpu.memory_space<vmem>> -> memref<1x72xi32, #tpu.memory_space<vmem>>
        %dma_start3A_356 = tpu.memref_squeeze %dma_start3A_355 : memref<1x72xi32, #tpu.memory_space<vmem>> -> memref<72xi32, #tpu.memory_space<vmem>>
        %dma_start3A_357 = arith.constant 0 : i32
        %dma_start3A_358 = arith.constant 0 : i32
        %dma_start3A_359 = tpu.memref_slice %arg3[%dma_start3A_357, %dma_start3A_358] : memref<1000000x64xf32, #tpu.memory_space<hbm>> -> memref<1000000x64xf32, #tpu.memory_space<hbm>>
        tpu.enqueue_indirect_dma source(%dma_start3A_359 : memref<1000000x64xf32, #tpu.memory_space<hbm>>) target(%dma_start3A_353 : memref<72x64xf32, #tpu.memory_space<vmem>>) offsets(%dma_start3A_356 : memref<72xi32, #tpu.memory_space<vmem>>) semaphore(%arg15 : memref<!tpu.dma_semaphore, #tpu.memory_space<semaphore_mem>>)
      } else {
      }
    }
    %scan3A_156 = arith.constant 64 : i32
    %dma_wait3A = arith.constant 0 : i32
    %dma_wait3A_157 = arith.constant 0 : i32
    %dma_wait3A_158 = arith.constant 0 : i32
    %dma_wait3A_159 = tpu.memref_slice %arg4[%dma_wait3A, %dma_wait3A_157, %dma_wait3A_158] : memref<16384x200x128xf32, #tpu.memory_space<hbm>> -> memref<2x200x64xf32, #tpu.memory_space<hbm>>
    %dma_wait3A_160 = arith.constant 0 : i32
    %dma_wait3A_161 = arith.constant 0 : i32
    %dma_wait3A_162 = arith.constant 0 : i32
    %dma_wait3A_163 = tpu.memref_slice %arg4[%dma_wait3A_160, %dma_wait3A_161, %dma_wait3A_162] : memref<16384x200x128xf32, #tpu.memory_space<hbm>> -> memref<2x200x64xf32, #tpu.memory_space<hbm>>
    tpu.wait_dma2 semaphore(%arg17 : memref<!tpu.dma_semaphore, #tpu.memory_space<semaphore_mem>>) src(%dma_wait3A_163 : memref<2x200x64xf32, #tpu.memory_space<hbm>>) dst(%arg9 : memref<2x200x64xf32, #tpu.memory_space<vmem>>)
    %dma_wait3A_164 = arith.constant 0 : i32
    %dma_wait3A_165 = arith.constant 0 : i32
    %dma_wait3A_166 = arith.constant 0 : i32
    %dma_wait3A_167 = tpu.memref_slice %arg4[%dma_wait3A_164, %dma_wait3A_165, %dma_wait3A_166] : memref<16384x200x128xf32, #tpu.memory_space<hbm>> -> memref<2x200x64xf32, #tpu.memory_space<hbm>>
    %dma_wait3A_168 = arith.constant 0 : i32
    %dma_wait3A_169 = arith.constant 0 : i32
    %dma_wait3A_170 = arith.constant 0 : i32
    %dma_wait3A_171 = tpu.memref_slice %arg4[%dma_wait3A_168, %dma_wait3A_169, %dma_wait3A_170] : memref<16384x200x128xf32, #tpu.memory_space<hbm>> -> memref<2x200x64xf32, #tpu.memory_space<hbm>>
    tpu.wait_dma2 semaphore(%arg18 : memref<!tpu.dma_semaphore, #tpu.memory_space<semaphore_mem>>) src(%dma_wait3A_171 : memref<2x200x64xf32, #tpu.memory_space<hbm>>) dst(%arg10 : memref<2x200x64xf32, #tpu.memory_space<vmem>>)
    %dma_wait3A_172 = arith.constant 0 : i32
    %dma_wait3A_173 = arith.constant 0 : i32
    %dma_wait3A_174 = arith.constant 0 : i32
    %dma_wait3A_175 = tpu.memref_slice %arg4[%dma_wait3A_172, %dma_wait3A_173, %dma_wait3A_174] : memref<16384x200x128xf32, #tpu.memory_space<hbm>> -> memref<2x200x64xf32, #tpu.memory_space<hbm>>
    %dma_wait3A_176 = arith.constant 0 : i32
    %dma_wait3A_177 = arith.constant 0 : i32
    %dma_wait3A_178 = arith.constant 0 : i32
    %dma_wait3A_179 = tpu.memref_slice %arg4[%dma_wait3A_176, %dma_wait3A_177, %dma_wait3A_178] : memref<16384x200x128xf32, #tpu.memory_space<hbm>> -> memref<2x200x64xf32, #tpu.memory_space<hbm>>
    tpu.wait_dma2 semaphore(%arg19 : memref<!tpu.dma_semaphore, #tpu.memory_space<semaphore_mem>>) src(%dma_wait3A_179 : memref<2x200x64xf32, #tpu.memory_space<hbm>>) dst(%arg11 : memref<2x200x64xf32, #tpu.memory_space<vmem>>)
    %dma_wait3A_180 = arith.constant 0 : i32
    %dma_wait3A_181 = arith.constant 0 : i32
    %dma_wait3A_182 = arith.constant 0 : i32
    %dma_wait3A_183 = tpu.memref_slice %arg4[%dma_wait3A_180, %dma_wait3A_181, %dma_wait3A_182] : memref<16384x200x128xf32, #tpu.memory_space<hbm>> -> memref<2x200x64xf32, #tpu.memory_space<hbm>>
    %dma_wait3A_184 = arith.constant 0 : i32
    %dma_wait3A_185 = arith.constant 0 : i32
    %dma_wait3A_186 = arith.constant 0 : i32
    %dma_wait3A_187 = tpu.memref_slice %arg4[%dma_wait3A_184, %dma_wait3A_185, %dma_wait3A_186] : memref<16384x200x128xf32, #tpu.memory_space<hbm>> -> memref<2x200x64xf32, #tpu.memory_space<hbm>>
    tpu.wait_dma2 semaphore(%arg20 : memref<!tpu.dma_semaphore, #tpu.memory_space<semaphore_mem>>) src(%dma_wait3A_187 : memref<2x200x64xf32, #tpu.memory_space<hbm>>) dst(%arg12 : memref<2x200x64xf32, #tpu.memory_space<vmem>>)
    return
  }
}

</mosaic_0001>

<sc_bundles>
// kernel: kernel.3.cloned.1.call-start
scs
__scs_entry_jumppad:
0x0: {  	(pc) =	sbr.rel $0x88, $3  }
0x1: {  	(tag) =	ssettag $0x0;
	lr =	simm.s32 $0x1  }
0x2: {  	[smem:$0x3F9F] =	sst lr;
	_ =	strace $0xD0000000  }
0x3: {  	_ = 	snop  }
0x4: {  	_ = 	snop  }
0x5: {  	_ = 	snop  }
0x6: {  	_ = 	snop  }
0x7: {  	_ = 	snop  }
__scs_overlays_trampoline_lowered:
0x8: {  	[smem:$0x3FAE] =	sst s0  }
0x9: {  	[smem:$0x3FAF] =	sst s1  }
0xa: {  	[smem:$0x3FB0] =	sst s2  }
0xb: {  	[smem:$0x3FB1] =	sst s3  }
0xc: {  	[smem:$0x3FB2] =	sst s4  }
0xd: {  	[smem:$0x3FB3] =	sst s5  }
0xe: {  	[smem:$0x3FB4] =	sst s6  }
0xf: {  	[smem:$0x3FB5] =	sst s7  }
0x10: {  	[smem:$0x3FB6] =	sst s8  }
0x11: {  	[smem:$0x3FB7] =	sst s9;
	s0 =	simm.s32 @!p0 $0x0  }
0x12: {  	s1 =	sld [smem:$0x3F9D];
	s0 =	simm.s32 @p0 $0x1  }
0x13: {  	[smem:$0x3FB8] =	sst s0;
	s0 =	simm.s32 @!p1 $0x0  }
0x14: {  	s2 =	sld [smem:$0x3F9C];
	s0 =	simm.s32 @p1 $0x1  }
0x15: {  	[smem:$0x3FB9] =	sst s0;
	s0 =	simm.s32 @!p2 $0x0  }
0x16: {  	s3 =	sld [smem:$0x3FDB];
	s0 =	simm.s32 @p2 $0x1  }
0x17: {  	s4 =	simm.s32 $0x1BF5;
	[smem:$0x3FBB] =	sst s0  }
0x18: {  	s0 =	sld [smem:$0x3F9E];
	_ =	swait.ge [sflag:s4], $0x0  }
0x19: {  	s7 =	sld [smem:$0x3F9F]  }
0x1a: {  	s8 =	sadd.s32 $0xFFFFE003, lr  }
0x1b: {  	s9 =	sadd.s32 $0xFFFFFEF7, lr;
	s5 =	simm.s32 $0xFFFFFFFF;
	p2 =	slt.u32 s8, $0xFFFFF086  }
0x1c: {  	p1 =	slt.u32 s9, $0xF7A;
	s5 =	simm.s32 @!p2 $0x0  }
0x1d: {  	s5 =	simm.s32 @p1 $0x1;
	p0 =	seq.s32 s7, s2  }
0x1e: {  	s7 =	smul.u32 @!p0 $0xF7A, s2;
	p2 =	seq.s32 @!p0 s5, $0x0  }
0x1f: {  	s9 =	smul.u32 $0xF7A, s1;
	s8 =	simm.s32 @!p0 $0x1BF5;
	p2 =	por !p2, p0  }
0x20: {  	[sflag:s8] =	ssyncset.s32 @!p0 $0xFFFFF086;
	s6 =	sadd.s32 @!p0 s3, s7;
	s7 =	simm.s32 @!p0 $0x108  }
0x21: {  	s3 =	sadd.s32 s3, s9;
	s6 =	sadd.s32 @!p0 $0x88, s6;
	s7 =	simm.s32 @p2 $0x1082  }
0x22: {  	[simem:s7], [sflag:s8] =	dma.local @!p0 [hbm:s6], $0xF7A  }
0x23: {  	s9 =	sor.u32 $0xD0000000, s2;
	s6 =	simm.s32 $0x108;
	_ =	swait.ge @!p0 [sflag:s8], $0x0  }
0x24: {  	s3 =	sadd.s32 $0x88, s3;
	s6 =	simm.s32 @!p1 $0x1082;
	[sflag:s4] =	ssyncset.s32 $0xFFFFF086  }
0x25: {  	[simem:s6], [sflag:s4] =	dma.local [hbm:s3], $0xF7A  }
0x26: {  	[smem:$0x3F9F] =	sst s1;
	(tag) =	ssettag s2;
	_ =	strace s9  }
0x27: {  	s1 =	sld [smem:$0x3FAF]  }
0x28: {  	s2 =	sld [smem:$0x3FB0]  }
0x29: {  	s4 =	sld [smem:$0x3FB2]  }
0x2a: {  	p0 =	seq.s32 s5, $0x0;
	s5 =	sld [smem:$0x3FB3]  }
0x2b: {  	s6 =	sld [smem:$0x3FB4]  }
0x2c: {  	s7 =	sld [smem:$0x3FB5]  }
0x2d: {  	s3 =	simm.s32 $0x108;
	s8 =	sld [smem:$0x3FB6]  }
0x2e: {  	s3 =	simm.s32 @!p0 $0x1082;
	s9 =	sld [smem:$0x3FB7]  }
0x2f: {  	lr =	sadd.s32 s0, s3;
	s0 =	sld [smem:$0x3FAE]  }
0x30: {  	s3 =	sld [smem:$0x3FB1]  }
0x31: {  	[smem:$0x3FBA] =	sst s10  }
0x32: {  	s10 =	sld [smem:$0x3FB8];
	_ =	sdelay $0x3  }
0x33: {  	p0 =	seq.s32 s10, $0x1;
	s10 =	sld [smem:$0x3FBA];
	_ =	sdelay $0x3  }
0x34: {  	[smem:$0x3FBA] =	sst s10  }
0x35: {  	s10 =	sld [smem:$0x3FB9];
	_ =	sdelay $0x3  }
0x36: {  	p1 =	seq.s32 s10, $0x1;
	s10 =	sld [smem:$0x3FBA];
	_ =	sdelay $0x3  }
0x37: {  	[smem:$0x3FBA] =	sst s10  }
0x38: {  	s10 =	sld [smem:$0x3FBB]  }
0x39: {  	_ = 	snop;
	(pc) =	sbr.ind lr, $3  }
0x3a: {  	_ = 	snop  }
0x3b: {  	_ = 	snop  }
0x3c: {  	p2 =	seq.s32 s10, $0x1;
	s10 =	sld [smem:$0x3FBA]  }
0x3d: {  	_ =	shalt  }
0x3e: {  	_ =	shalt  }
0x3f: {  	_ =	shalt  }
0x40: {  	_ =	shalt  }
0x41: {  	_ =	shalt  }
0x42: {  	_ =	shalt  }
0x43: {  	_ =	shalt  }
0x44: {  	_ =	shalt  }
0x45: {  	_ =	shalt  }
0x46: {  	_ =	shalt  }
0x47: {  	_ =	shalt  }
0x48: {  	_ =	shalt  }
0x49: {  	_ =	shalt  }
0x4a: {  	_ =	shalt  }
0x4b: {  	_ =	shalt  }
0x4c: {  	_ =	shalt  }
0x4d: {  	_ =	shalt  }
0x4e: {  	_ =	shalt  }
0x4f: {  	_ =	shalt  }
0x50: {  	_ =	shalt  }
0x51: {  	_ =	shalt  }
0x52: {  	_ =	shalt  }
0x53: {  	_ =	shalt  }
0x54: {  	_ =	shalt  }
0x55: {  	_ =	shalt  }
0x56: {  	_ =	shalt  }
0x57: {  	_ =	shalt  }
0x58: {  	_ =	shalt  }
0x59: {  	_ =	shalt  }
0x5a: {  	_ =	shalt  }
0x5b: {  	_ =	shalt  }
0x5c: {  	_ =	shalt  }
0x5d: {  	_ =	shalt  }
0x5e: {  	_ =	shalt  }
0x5f: {  	_ =	shalt  }
0x60: {  	_ =	shalt  }
0x61: {  	_ =	shalt  }
0x62: {  	_ =	shalt  }
0x63: {  	_ =	shalt  }
0x64: {  	_ =	shalt  }
0x65: {  	_ =	shalt  }
0x66: {  	_ =	shalt  }
0x67: {  	_ =	shalt  }
0x68: {  	_ =	shalt  }
0x69: {  	_ =	shalt  }
0x6a: {  	_ =	shalt  }
0x6b: {  	_ =	shalt  }
0x6c: {  	_ =	shalt  }
0x6d: {  	_ =	shalt  }
0x6e: {  	_ =	shalt  }
0x6f: {  	_ =	shalt  }
0x70: {  	_ =	shalt  }
0x71: {  	_ =	shalt  }
0x72: {  	_ =	shalt  }
0x73: {  	_ =	shalt  }
0x74: {  	_ =	shalt  }
0x75: {  	_ =	shalt  }
0x76: {  	_ =	shalt  }
0x77: {  	_ =	shalt  }
0x78: {  	_ =	shalt  }
0x79: {  	_ =	shalt  }
0x7a: {  	_ =	shalt  }
0x7b: {  	_ =	shalt  }
0x7c: {  	_ =	shalt  }
0x7d: {  	_ =	shalt  }
0x7e: {  	_ =	shalt  }
0x7f: {  	_ =	shalt  }
0x80: {  	_ =	shalt  }
0x81: {  	_ =	shalt  }
0x82: {  	_ =	shalt  }
0x83: {  	_ =	shalt  }
0x84: {  	_ =	shalt  }
0x85: {  	_ =	shalt  }
0x86: {  	_ =	shalt  }
0x87: {  	_ =	shalt  }
.Lfunc_end0:
.L_simem_size_0:
called_computation.1_lowered:
.L_overlay_start_0:
0x88: {  	s2 =	sld [smem:$0x3FD9]  }
0x89: {  	s3 =	sld [smem:$0x3FFE];
	_ =	sdelay $0x1  }
0x8a: {  	s1 =	srdreg.scid  }
0x8b: {  	s0 =	sand.u32 $0x1, s1  }
0x8c: {  	s16 =	sshll.u32 s0, $0xA;
	s2 =	sadd.s32 s3, s2  }
0x8d: {  	s2 =	sadd.s32 s2, s16  }
0x8e: {  	[smem:$0x3FC6] =	sst s2  }
0x8f: {  	_ = 	snop  }
0x90: {  	(tm) =	ssettm $0x1  }
0x91: {  	s17 =	sld [smem:$0x3FFB];
	_ =	sdelay $0x3  }
0x92: {  	_ =	strace s17  }
0x93: {  	s2 =	sld [smem:$0x3FFC];
	_ =	sdelay $0x3  }
0x94: {  	_ =	strace s2  }
0x95: {  	s2 =	sld [smem:$0x3FFD];
	_ =	sdelay $0x3  }
0x96: {  	_ =	strace s2  }
0x97: {  	_ =	strace $0x8FFFFFFF  }
0x98: {  	s18 =	sld [smem:$0x3FDB];
	_ =	sdelay $0x1  }
0x99: {  	s19 =	simm.s32 $_scs_section_size  }
0x9a: {  	s4 =	simm.s32 $_size__tile_overlayer_lowered;
	s5 =	simm.s32 $_tile_overlayer_lowered  }
0x9b: {  	s22 =	simm.s32 $0x1BFF;
	s21 =	sshll.u32 s5, $0x1;
	s2 =	sadd.s32 s19, s18  }
0x9c: {  	s6 =	simm.s32 $0x0;
	s20 =	sshll.u32 s4, $0x1;
	s4 =	sadd.s32 s21, s2  }
0x9d: {  	[timem:s6], [sflag:s22] =	dma.local [hbm:s4], s20  }
0x9e: {  	_ =	swait.ge [sflag:s22], s20  }
0x9f: {  	s3 =	ssub.s32 $0x0, s20;
	[sflag:s22] =	ssyncset.done $0x0  }
0xa0: {  	[sflag:s22] =	ssyncadd.s32 s3;
	_ =	sdelay $0x1  }
0xa1: {  	s23 =	simm.s32 $0x1B8B  }
0xa2: {  	_ =	swait.ge [sflag:s23], $0x1  }
0xa3: {  	[sflag:s23] =	ssyncset.done $0x0  }
0xa4: {  	s25 =	simm.s32 $0x1B8E;
	s24 =	sld [smem:$0x3FFE];
	[sflag:s23] =	ssyncadd.s32 $0xFFFFFFFF  }
0xa5: {  	s26 =	simm.s32 $execute0_lowered;
	[smem:$0x3FD2] =	sst s25  }
0xa6: {  	s4 =	sshll.u32 s26, $0x1;
	_ =	strace $0x80000046;
	[dreg:$0x1] =	wrdreg $0xFFFFFFFF  }
0xa7: {  	s28 =	simm.s32 $_size_execute0_lowered;
	s2 =	sadd.s32 s2, s4;
	[dreg:$0x0] =	wrdreg $0x0  }
0xa8: {  	s4 =	sshll.u32 s28, $0x1;
	[dreg:$0x2] =	wrdreg s2  }
0xa9: {  	[dreg:$0x3] =	wrdreg s4  }
0xaa: {  	[dreg:$0x4] =	wrdreg $0xC0  }
0xab: {  	_ =	task [dreg:s6], $0x5FFFF  }
0xac: {  	[dreg:$0x1] =	wrdreg $0xFFFFFFFF  }
0xad: {  	[dreg:$0x0] =	wrdreg $0x60  }
0xae: {  	[dreg:$0x2] =	wrdreg s24  }
0xaf: {  	[dreg:$0x3] =	wrdreg $0x9  }
0xb0: {  	_ =	task.clear_ibuf [dreg:s6], $0x4FFFF;
	_ =	strace $0x90000046  }
0xb1: {  	s29 =	simm.s32 $0x9;
	_ =	strace $0x80000048  }
0xb2: {  	_ =	swait.ge [sflag:s29], $0x1  }
0xb3: {  	[sflag:s29] =	ssyncadd.s32 $0xFFFFFFFF  }
0xb4: {  	_ =	strace $0x90000048  }
0xb5: {  	_ =	sfence  }
0xb6: {  	s30 =	sld [smem:$0x0];
	_ =	sdelay $0x2  }
0xb7: {  	s31 =	sshll.u32 s1, $0xD;
	s1 =	sshrl.u32 s1, $0x2  }
0xb8: {  	s3 =	sand.u32 $0x4000, s31;
	s1 =	sadd.s32 s1, s30  }
0xb9: {  	s0 =	sor.u32 s3, s0;
	s1 =	sshll.u32 s1, $0x11  }
0xba: {  	s0 =	sor.u32 s1, s0  }
0xbb: {  	s0 =	sadd.s32 $0x8F2B, s0  }
0xbc: {  	[sflag:s0] =	ssyncadd.remote.s32 $0x1  }
0xbd: {  	_ =	sfence.sel $0xFFFF  }
0xbe: {  	[dreg:$0x0] =	wrdreg $0xFFFFFFFF;
	(pc) =	sbr.abs _section_cstart, $3  }
0xbf: {  	[dreg:$0x1] =	wrdreg $0xFFFFFFFF  }
0xc0: {  	_ =	task.clear_ibuf [dreg:s6], $0x2FFFF;
	_ =	strace $0x9FFFFFFF  }
0xc1: {  	(tm) =	ssettm $0x7FFFFFFF  }
tec
execute0_lowered:
.L_overlay_start_1:
0x0: {  	(tag) =	ssettag $0x1  }
0x1: {  	s0 =	rddreg [dreg:$0x0]  }
0x2: {  	s1 =	srdreg.scid;
	s9 =	stileid.u32;
	s2 =	simm.s32 $0x0  }
0x3: {  	s10 =	simm.s32 $0x9;
	s11 =	simm.s32 $0x80;
	s13 =	simm.s32 $0x48  }
0x4: {  	s19 =	simm.s32 $0x190;
	s20 =	simm.s32 $0x6A40;
	s28 =	simm.s32 $0x320  }
0x5: {  	s29 =	simm.s32 $0xCE40;
	s16 =	simm.s32 $0x1;
	s17 =	simm.s32 $0x40  }
0x6: {  	s18 =	simm.s32 $0x4B0;
	s12 =	simm.s32 $0x5F8;
	s21 =	simm.s32 $0x18440  }
0x7: {  	s22 =	simm.s32 $0x2;
	s23 =	simm.s32 $0x3;
	s24 =	simm.s32 $0x4  }
0x8: {  	s1 =	sand.u32 $0x1, s1;
	s3 =	sshll.u32 s9, $0xA;
	s5 =	smul.u32 $0x320000, s9  }
0x9: {  	[smem:$0x7FF] =	sst s2;
	s25 =	sadd.s32 $0x800, s0;
	s9 =	smul.u32 $0x6400, s9  }
0xa: {  	s4 =	sshll.u32 s1, $0x9;
	_ =	strace $0x80000047;
	s8 =	smul.u32 $0x190000, s1  }
0xb: {  	s7 =	ssub.s32 $0x2, s1;
	s1 =	smul.u32 $0x3200, s1;
	s3 =	sor.u32 s4, s3  }
0xc: {  	s26 =	sshrl.u32 s7, $0x1;
	s4 =	sadd.s32 s9, s25;
	s9 =	simm.s32 $0x578  }
0xd: {  	s6 =	smul.u32 $0x19, s3;
	s3 =	sadd.s32 $0x64800, s0;
	s0 =	sadd.s32 s5, s0  }
0xe: {  	s5 =	ssub.s32 s7, s26;
	s1 =	sadd.s32 s1, s4;
	s7 =	simm.s32 $0x15240  }
0xf: {  	s4 =	simm.s32 $0x16440;
	s26 =	simm.s32 $0x7;
	s5 =	smax.u32 s5, $0x1  }
.Ltmp0:
0x10: {  	s31 =	sadd.s32 $0x12C, s1;
	[dreg:$0x5] =	wrdreg s5;
	(pc) =	sbr.rel .LBB2_1-.Ltmp0, $4  }
0x11: {  	s0 =	sadd.s32 s8, s0;
	s6 =	sadd.s32 s25, s6;
	[dreg:$0x6] =	wrdreg s31  }
0x12: {  	s8 =	sadd.s32 $0x805A00, s0;
	s30 =	sadd.s32 $0x32, s6;
	[dreg:$0x2] =	wrdreg s6  }
0x13: {  	s5 =	simm.s32 $0x13240;
	s6 =	sadd.s32 $0x64, s6;
	[dreg:$0x3] =	wrdreg s30  }
0x14: {  	s25 =	simm.s32 $0x6;
	[dreg:$0x4] =	wrdreg s6;
	s6 =	simm.s32 $0x0  }
.LBB2_4:
0x15: {  	_ =	swait.ge [sflag:s24], $0x6400  }
0x16: {  	[sflag:s24] =	ssyncset.done $0x0  }
0x17: {  	s30 =	simm.s32 $0x5;
	[sflag:s24] =	ssyncadd.s32 $0xFFFF9C00  }
0x18: {  	[hbm4b:s0+s17] =	stream.strided.scatter [tilespmem:s5], [sflag:$0x8], $0x6400, s11, s17, $0x38;
	[tilespmem:$0x19640] =	vst v63  }
0x19: {  	_ =	swait.ge [sflag:s30], $0x6400  }
0x1a: {  	[sflag:s30] =	ssyncset.done $0x0  }
0x1b: {  	[sflag:s30] =	ssyncadd.s32 $0xFFFF9C00  }
0x1c: {  	_ =	swait.ge [sflag:s25], $0x6400  }
0x1d: {  	[sflag:s25] =	ssyncset.done $0x0  }
0x1e: {  	[sflag:s25] =	ssyncadd.s32 $0xFFFF9C00  }
0x1f: {  	_ =	swait.ge [sflag:s26], $0x6400  }
0x20: {  	[sflag:s26] =	ssyncset.done $0x0  }
0x21: {  	s1 =	simm.s32 $0x8;
	[sflag:s26] =	ssyncadd.s32 $0xFFFF9C00  }
0x22: {  	_ =	swait.ge [sflag:s1], $0x6400  }
0x23: {  	s6 =	rddreg [dreg:$0x7]  }
0x24: {  	s31 =	rddreg [dreg:$0x5];
	s6 =	sadd.s32 $0x1, s6  }
0x25: {  	p0 =	sne.s32 s6, s31  }
.Ltmp1:
0x26: {  	_ = 	snop;
	(pc) =	sbr.rel @!p0 .LBB2_5-.Ltmp1, $3  }
0x27: {  	_ =	sdelay $0x1  }
0x28: {  	[sflag:s1] =	ssyncset.done $0x0  }
0x29: {  	[sflag:s1] =	ssyncadd.s32 $0xFFFF9C00  }
.LBB2_1:
0x2a: {  	[dreg:$0x7] =	wrdreg s6  }
0x2b: {  	s0 =	rddreg [dreg:$0x2]  }
0x2c: {  	[tilespmem:s2], [sflag:$0x9] =	stream.linear.gather [hbm4b:s0+s2], $0x190, $0x38;
	[tilespmem:$0x19640] =	vst v63  }
0x2d: {  	_ =	swait.ge [sflag:s10], $0x190  }
0x2e: {  	[sflag:s10] =	ssyncset.done $0x0  }
0x2f: {  	s15 =	simm.s32 $0x640;
	[sflag:s10] =	ssyncadd.s32 $0xFFFFFE70  }
0x30: {  	[tilespmem:s15], [sflag:$0x1] =	stream.indirect.gather [hbm4b:s3+s11], $0x40, s2, s11, $0xb8;
	[tilespmem:$0x19640] =	vst v63  }
0x31: {  	s1 =	simm.s32 $0x2640  }
0x32: {  	[tilespmem:s1], [sflag:$0x1] =	stream.indirect.gather [hbm4b:s3+s13], $0x40, s11, s13, $0xb8;
	[tilespmem:$0x19640] =	vst v63  }
0x33: {  	s6 =	simm.s32 $0xC8;
	s1 =	simm.s32 $0x3840  }
0x34: {  	[tilespmem:s1], [sflag:$0x1] =	stream.indirect.gather [hbm4b:s3+s11], $0x40, s6, s11, $0xb8;
	[tilespmem:$0x19640] =	vst v63  }
0x35: {  	s14 =	simm.s32 $0x148;
	s15 =	simm.s32 $0x5840  }
0x36: {  	[tilespmem:s15], [sflag:$0x1] =	stream.indirect.gather [hbm4b:s3+s13], $0x40, s14, s13, $0xb8;
	[tilespmem:$0x19640] =	vst v63  }
0x37: {  	s6 =	rddreg [dreg:$0x3]  }
0x38: {  	[tilespmem:s19], [sflag:$0x9] =	stream.linear.gather [hbm4b:s6+s2], $0x190, $0x38;
	[tilespmem:$0x19640] =	vst v63  }
0x39: {  	_ =	swait.ge [sflag:s10], $0x190  }
0x3a: {  	[sflag:s10] =	ssyncset.done $0x0  }
0x3b: {  	[sflag:s10] =	ssyncadd.s32 $0xFFFFFE70  }
0x3c: {  	[tilespmem:s20], [sflag:$0x2] =	stream.indirect.gather [hbm4b:s3+s11], $0x40, s19, s11, $0xb8;
	[tilespmem:$0x19640] =	vst v63  }
0x3d: {  	s14 =	simm.s32 $0x210;
	s15 =	simm.s32 $0x8A40  }
0x3e: {  	[tilespmem:s15], [sflag:$0x2] =	stream.indirect.gather [hbm4b:s3+s13], $0x40, s14, s13, $0xb8;
	[tilespmem:$0x19640] =	vst v63  }
0x3f: {  	s1 =	simm.s32 $0x258;
	s6 =	simm.s32 $0x9C40  }
0x40: {  	[tilespmem:s6], [sflag:$0x2] =	stream.indirect.gather [hbm4b:s3+s11], $0x40, s1, s11, $0xb8;
	[tilespmem:$0x19640] =	vst v63  }
0x41: {  	s14 =	simm.s32 $0x2D8;
	s15 =	simm.s32 $0xBC40  }
0x42: {  	[tilespmem:s15], [sflag:$0x2] =	stream.indirect.gather [hbm4b:s3+s13], $0x40, s14, s13, $0xb8;
	[tilespmem:$0x19640] =	vst v63  }
0x43: {  	s6 =	rddreg [dreg:$0x4]  }
0x44: {  	[tilespmem:s28], [sflag:$0x9] =	stream.linear.gather [hbm4b:s6+s2], $0x190, $0x38;
	[tilespmem:$0x19640] =	vst v63  }
0x45: {  	_ =	swait.ge [sflag:s10], $0x190  }
0x46: {  	[sflag:s10] =	ssyncset.done $0x0  }
0x47: {  	[sflag:s10] =	ssyncadd.s32 $0xFFFFFE70  }
0x48: {  	[tilespmem:s29], [sflag:$0x3] =	stream.indirect.gather [hbm4b:s3+s11], $0x40, s28, s11, $0xb8;
	[tilespmem:$0x19640] =	vst v63  }
0x49: {  	s14 =	simm.s32 $0x3A0;
	s15 =	simm.s32 $0xEE40  }
0x4a: {  	[tilespmem:s15], [sflag:$0x3] =	stream.indirect.gather [hbm4b:s3+s13], $0x40, s14, s13, $0xb8;
	[tilespmem:$0x19640] =	vst v63  }
0x4b: {  	s31 =	simm.s32 $0x0;
	s1 =	simm.s32 $0x3E8;
	s6 =	simm.s32 $0x10040  }
0x4c: {  	[tilespmem:s6], [sflag:$0x3] =	stream.indirect.gather [hbm4b:s3+s11], $0x40, s1, s11, $0xb8;
	[tilespmem:$0x19640] =	vst v63  }
0x4d: {  	s30 =	rddreg [dreg:$0x6];
	s14 =	simm.s32 $0x468;
	s15 =	simm.s32 $0x12040  }
0x4e: {  	[tilespmem:s15], [sflag:$0x3] =	stream.indirect.gather [hbm4b:s3+s13], $0x40, s14, s13, $0xb8;
	[tilespmem:$0x19640] =	vst v63  }
.LBB2_2:
0x4f: {  	_ =	swait.ge [sflag:s16], $0x6400  }
0x50: {  	s0 =	sadd.s32 s31, s8;
	[sflag:s16] =	ssyncset.done $0x0  }
0x51: {  	s1 =	simm.s32 $0x640;
	p0 =	seq.s32 s31, $0x0;
	[sflag:s16] =	ssyncadd.s32 $0xFFFF9C00  }
0x52: {  	[hbm4b:s0+s17] =	stream.strided.scatter [tilespmem:s1], [sflag:$0x5], $0x6400, s11, s17, $0x38;
	[tilespmem:$0x19640] =	vst v63  }
0x53: {  	s1 =	simm.s32 @!p0 $0x8  }
0x54: {  	_ =	swait.ge @!p0 [sflag:s1], $0x6400  }
0x55: {  	[sflag:s1] =	ssyncset.done @!p0 $0x0  }
0x56: {  	s15 =	sadd.s32 $0xFFFFFF6A, s30;
	[sflag:s1] =	ssyncadd.s32 @!p0 $0xFFFF9C00  }
0x57: {  	[tilespmem:s18], [sflag:$0x9] =	stream.linear.gather [hbm4b:s15+s2], $0x190, $0x38;
	[tilespmem:$0x19640] =	vst v63  }
0x58: {  	_ =	swait.ge [sflag:s10], $0x190  }
0x59: {  	[sflag:s10] =	ssyncset.done $0x0  }
0x5a: {  	[sflag:s10] =	ssyncadd.s32 $0xFFFFFE70  }
0x5b: {  	[tilespmem:s5], [sflag:$0x4] =	stream.indirect.gather [hbm4b:s3+s11], $0x40, s18, s11, $0xb8;
	[tilespmem:$0x19640] =	vst v63  }
0x5c: {  	s6 =	simm.s32 $0x530  }
0x5d: {  	[tilespmem:s7], [sflag:$0x4] =	stream.indirect.gather [hbm4b:s3+s13], $0x40, s6, s13, $0xb8;
	[tilespmem:$0x19640] =	vst v63  }
0x5e: {  	_ = 	snop  }
0x5f: {  	[tilespmem:s4], [sflag:$0x4] =	stream.indirect.gather [hbm4b:s3+s11], $0x40, s9, s11, $0xb8;
	[tilespmem:$0x19640] =	vst v63  }
0x60: {  	_ = 	snop  }
0x61: {  	[tilespmem:s21], [sflag:$0x4] =	stream.indirect.gather [hbm4b:s3+s13], $0x40, s12, s13, $0xb8;
	[tilespmem:$0x19640] =	vst v63  }
0x62: {  	_ =	swait.ge [sflag:s22], $0x6400  }
0x63: {  	p0 =	seq.s32 s31, $0x189C00;
	[sflag:s22] =	ssyncset.done $0x0  }
0x64: {  	s14 =	sadd.s32 $0x1900, s0;
	s1 =	simm.s32 @!p0 $0x5;
	[sflag:s22] =	ssyncadd.s32 $0xFFFF9C00  }
0x65: {  	[hbm4b:s14+s17] =	stream.strided.scatter [tilespmem:s20], [sflag:$0x6], $0x6400, s11, s17, $0x38;
	[tilespmem:$0x19640] =	vst v63  }
0x66: {  	_ =	swait.ge @!p0 [sflag:s1], $0x6400  }
0x67: {  	[sflag:s1] =	ssyncset.done @!p0 $0x0  }
0x68: {  	s14 =	simm.s32 @!p0 $0x0;
	[sflag:s1] =	ssyncadd.s32 @!p0 $0xFFFF9C00;
	s1 =	sadd.s32 @!p0 $0xFFFFFF9C, s30  }
0x69: {  	[tilespmem:s14], [sflag:$0x9] =	stream.linear.gather @!p0 [hbm4b:s1+s14], $0x190, $0x38;
	[tilespmem:$0x19640] =	vst v63  }
0x6a: {  	s1 =	simm.s32 @!p0 $0x9  }
0x6b: {  	_ =	swait.ge @!p0 [sflag:s1], $0x190  }
0x6c: {  	[sflag:s1] =	ssyncset.done @!p0 $0x0  }
0x6d: {  	s15 =	simm.s32 @!p0 $0x640;
	[sflag:s1] =	ssyncadd.s32 @!p0 $0xFFFFFE70;
	s1 =	simm.s32 @!p0 $0x80  }
0x6e: {  	[tilespmem:s15], [sflag:$0x1] =	stream.indirect.gather @!p0 [hbm4b:s3+s1], $0x40, s14, s1, $0xb8;
	[tilespmem:$0x19640] =	vst v63  }
0x6f: {  	s14 =	simm.s32 @!p0 $0x48;
	s15 =	simm.s32 @!p0 $0x2640  }
0x70: {  	[tilespmem:s15], [sflag:$0x1] =	stream.indirect.gather @!p0 [hbm4b:s3+s14], $0x40, s1, s14, $0xb8;
	[tilespmem:$0x19640] =	vst v63  }
0x71: {  	s6 =	simm.s32 @!p0 $0x3840;
	s15 =	simm.s32 @!p0 $0xC8  }
0x72: {  	[tilespmem:s6], [sflag:$0x1] =	stream.indirect.gather @!p0 [hbm4b:s3+s1], $0x40, s15, s1, $0xb8;
	[tilespmem:$0x19640] =	vst v63  }
0x73: {  	s1 =	simm.s32 @!p0 $0x148;
	s6 =	simm.s32 @!p0 $0x5840  }
0x74: {  	[tilespmem:s6], [sflag:$0x1] =	stream.indirect.gather @!p0 [hbm4b:s3+s14], $0x40, s1, s14, $0xb8;
	[tilespmem:$0x19640] =	vst v63  }
.Ltmp2:
0x75: {  	_ = 	snop;
	(pc) =	sbr.rel @p0 .LBB2_4-.Ltmp2, $4  }
0x76: {  	_ =	swait.ge [sflag:s23], $0x6400  }
0x77: {  	[sflag:s23] =	ssyncset.done $0x0  }
0x78: {  	s15 =	sadd.s32 $0x3200, s0;
	s0 =	sadd.s32 $0x4B00, s0;
	[sflag:s23] =	ssyncadd.s32 $0xFFFF9C00  }
0x79: {  	[hbm4b:s15+s17] =	stream.strided.scatter [tilespmem:s29], [sflag:$0x7], $0x6400, s11, s17, $0x38;
	[tilespmem:$0x19640] =	vst v63  }
0x7a: {  	_ =	swait.ge [sflag:s25], $0x6400  }
0x7b: {  	[sflag:s25] =	ssyncset.done $0x0  }
0x7c: {  	s1 =	sadd.s32 $0xFFFFFFCE, s30;
	[sflag:s25] =	ssyncadd.s32 $0xFFFF9C00  }
0x7d: {  	[tilespmem:s19], [sflag:$0x9] =	stream.linear.gather [hbm4b:s1+s2], $0x190, $0x38;
	[tilespmem:$0x19640] =	vst v63  }
0x7e: {  	_ =	swait.ge [sflag:s10], $0x190  }
0x7f: {  	[sflag:s10] =	ssyncset.done $0x0  }
0x80: {  	[sflag:s10] =	ssyncadd.s32 $0xFFFFFE70  }
0x81: {  	[tilespmem:s20], [sflag:$0x2] =	stream.indirect.gather [hbm4b:s3+s11], $0x40, s19, s11, $0xb8;
	[tilespmem:$0x19640] =	vst v63  }
0x82: {  	s15 =	simm.s32 $0x210;
	s6 =	simm.s32 $0x8A40  }
0x83: {  	[tilespmem:s6], [sflag:$0x2] =	stream.indirect.gather [hbm4b:s3+s13], $0x40, s15, s13, $0xb8;
	[tilespmem:$0x19640] =	vst v63  }
0x84: {  	s14 =	simm.s32 $0x258;
	s15 =	simm.s32 $0x9C40  }
0x85: {  	[tilespmem:s15], [sflag:$0x2] =	stream.indirect.gather [hbm4b:s3+s11], $0x40, s14, s11, $0xb8;
	[tilespmem:$0x19640] =	vst v63  }
0x86: {  	s14 =	simm.s32 $0x2D8;
	s15 =	simm.s32 $0xBC40  }
0x87: {  	[tilespmem:s15], [sflag:$0x2] =	stream.indirect.gather [hbm4b:s3+s13], $0x40, s14, s13, $0xb8;
	[tilespmem:$0x19640] =	vst v63  }
0x88: {  	_ =	swait.ge [sflag:s24], $0x6400  }
0x89: {  	[sflag:s24] =	ssyncset.done $0x0  }
0x8a: {  	[sflag:s24] =	ssyncadd.s32 $0xFFFF9C00  }
0x8b: {  	[hbm4b:s0+s17] =	stream.strided.scatter [tilespmem:s5], [sflag:$0x8], $0x6400, s11, s17, $0x38;
	[tilespmem:$0x19640] =	vst v63  }
0x8c: {  	_ =	swait.ge [sflag:s26], $0x6400  }
0x8d: {  	[sflag:s26] =	ssyncset.done $0x0  }
0x8e: {  	[sflag:s26] =	ssyncadd.s32 $0xFFFF9C00  }
0x8f: {  	[tilespmem:s28], [sflag:$0x9] =	stream.linear.gather [hbm4b:s30+s2], $0x190, $0x38;
	[tilespmem:$0x19640] =	vst v63  }
0x90: {  	_ =	swait.ge [sflag:s10], $0x190  }
0x91: {  	[sflag:s10] =	ssyncset.done $0x0  }
0x92: {  	[sflag:s10] =	ssyncadd.s32 $0xFFFFFE70  }
0x93: {  	[tilespmem:s29], [sflag:$0x3] =	stream.indirect.gather [hbm4b:s3+s11], $0x40, s28, s11, $0xb8;
	[tilespmem:$0x19640] =	vst v63  }
0x94: {  	s14 =	simm.s32 $0x3A0;
	s15 =	simm.s32 $0xEE40  }
0x95: {  	[tilespmem:s15], [sflag:$0x3] =	stream.indirect.gather [hbm4b:s3+s13], $0x40, s14, s13, $0xb8;
	[tilespmem:$0x19640] =	vst v63  }
.Ltmp3:
0x96: {  	_ = 	snop;
	(pc) =	sbr.rel .LBB2_2-.Ltmp3, $4  }
0x97: {  	s31 =	sadd.s32 $0x6400, s31;
	s1 =	simm.s32 $0x3E8;
	s6 =	simm.s32 $0x10040  }
0x98: {  	[tilespmem:s6], [sflag:$0x3] =	stream.indirect.gather [hbm4b:s3+s11], $0x40, s1, s11, $0xb8;
	[tilespmem:$0x19640] =	vst v63  }
0x99: {  	s30 =	sadd.s32 $0xC8, s30;
	s14 =	simm.s32 $0x468;
	s15 =	simm.s32 $0x12040  }
0x9a: {  	[tilespmem:s15], [sflag:$0x3] =	stream.indirect.gather [hbm4b:s3+s13], $0x40, s14, s13, $0xb8;
	[tilespmem:$0x19640] =	vst v63  }
.LBB2_5:
0x9b: {  	_ =	sfence.sel $0x180000  }
0x9c: {  	[bflag:$0x0] =	sbarrier.arrive $0xFFFF  }
0x9d: {  	_ =	strace $0x90000047  }
0x9e: {  	s0 =	stileid.u32;
	[bflag:$0x2] =	sbarrier.arrive $0xFFFF  }
0x9f: {  	p0 =	sne.s32 s0, $0x0;
	s0 =	rddreg [dreg:$0x1]  }
0xa0: {  	s0 =	sadd.s32 @!p0 $0x100000, s0  }
0xa1: {  	[sflag:s0] =	ssyncadd.tile.s32 @!p0 $0x1;
	_ =	shalt  }
.Lfunc_end2:
_tile_overlayer_lowered:
.L_overlay_start_2:
0xa2: {  	(tag) =	ssettag $0x2  }
0xa3: {  	s0 =	rddreg [dreg:$0x0];
	s2 =	stileid.u32  }
0xa4: {  	s1 =	rddreg [dreg:$0x1];
	p0 =	sne.s32 s2, $0x0  }
0xa5: {  	s3 =	rddreg [dreg:$0x2];
	[bflag:$0x3] =	sbarrier.arrive $0xFFFF;
	s2 =	simm.s32 @!p0 $0x1C09  }
0xa6: {  	[timem:s3], [sflag:s2] =	dma.local @!p0 [hbm:s0], s1  }
0xa7: {  	s0 =	simm.s32 @!p0 $0x9  }
0xa8: {  	_ =	swait.ge @!p0 [sflag:s0], s1  }
0xa9: {  	s1 =	ssub.s32 @!p0 $0x0, s1;
	[sflag:s0] =	ssyncset.done @!p0 $0x0  }
0xaa: {  	[sflag:s0] =	ssyncadd.s32 @!p0 s1  }
0xab: {  	[bflag:$0x3] =	sbarrier.arrive $0xFFFF  }
0xac: {  	_ =	shalt  }

// kernel: sparse-core-data-format-call.cloned.1.call-start
scs
called_computation_lowered:
.L_overlay_start_0:
0x0: {  	s2 =	sld [smem:$0x3FD9]  }
0x1: {  	s3 =	sld [smem:$0x3FFE];
	_ =	sdelay $0x1  }
0x2: {  	s1 =	srdreg.scid  }
0x3: {  	s0 =	sand.u32 $0x1, s1  }
0x4: {  	s18 =	sshll.u32 s0, $0xA;
	s2 =	sadd.s32 s3, s2  }
0x5: {  	s2 =	sadd.s32 s2, s18  }
0x6: {  	[smem:$0x3FC6] =	sst s2  }
0x7: {  	_ = 	snop  }
0x8: {  	s2 =	sld [smem:$0x3FD0];
	(tm) =	ssettm $0x1  }
0x9: {  	s19 =	sld [smem:$0x3FFB];
	_ =	sdelay $0x3  }
0xa: {  	_ =	strace s19  }
0xb: {  	s3 =	sld [smem:$0x3FFC];
	_ =	sdelay $0x3  }
0xc: {  	_ =	strace s3  }
0xd: {  	s3 =	sld [smem:$0x3FFD];
	_ =	sdelay $0x3  }
0xe: {  	_ =	strace s3  }
0xf: {  	_ =	strace $0x8FFFFFFF  }
0x10: {  	s20 =	sld [smem:$0x3FDB];
	_ =	sdelay $0x1  }
0x11: {  	s4 =	simm.s32 $_scs_section_size  }
0x12: {  	s5 =	simm.s32 $_size__tile_overlayer_lowered;
	s6 =	simm.s32 $_tile_overlayer_lowered  }
0x13: {  	s23 =	simm.s32 $0x1BFF;
	s22 =	sshll.u32 s6, $0x1;
	s3 =	sadd.s32 s4, s20  }
0x14: {  	s7 =	simm.s32 $0x0;
	s21 =	sshll.u32 s5, $0x1;
	s5 =	sadd.s32 s22, s3  }
0x15: {  	[timem:s7], [sflag:s23] =	dma.local [hbm:s5], s21  }
0x16: {  	_ =	swait.ge [sflag:s23], s21  }
0x17: {  	s4 =	ssub.s32 $0x0, s21;
	[sflag:s23] =	ssyncset.done $0x0  }
0x18: {  	[sflag:s23] =	ssyncadd.s32 s4;
	_ =	sdelay $0x1  }
0x19: {  	s24 =	simm.s32 $0x1B8B  }
0x1a: {  	_ =	swait.ge [sflag:s24], $0x1  }
0x1b: {  	[sflag:s24] =	ssyncset.done $0x0  }
0x1c: {  	s26 =	simm.s32 $0x1B8E;
	s25 =	sld [smem:$0x3FFE];
	[sflag:s24] =	ssyncadd.s32 $0xFFFFFFFF  }
0x1d: {  	s27 =	simm.s32 $execute0_lowered;
	[smem:$0x3FD2] =	sst s26  }
0x1e: {  	s5 =	sshll.u32 s27, $0x1;
	_ =	strace $0x80000049;
	[dreg:$0x1] =	wrdreg $0xFFFFFFFF  }
0x1f: {  	s28 =	simm.s32 $_size_execute0_lowered;
	s3 =	sadd.s32 s3, s5;
	[dreg:$0x0] =	wrdreg $0x0  }
0x20: {  	s5 =	sshll.u32 s28, $0x1;
	[dreg:$0x2] =	wrdreg s3  }
0x21: {  	[dreg:$0x3] =	wrdreg s5  }
0x22: {  	[dreg:$0x4] =	wrdreg $0xC0  }
0x23: {  	_ =	task [dreg:s7], $0x5FFFF  }
0x24: {  	[dreg:$0x1] =	wrdreg $0xFFFFFFFF  }
0x25: {  	[dreg:$0x0] =	wrdreg $0x60  }
0x26: {  	[dreg:$0x2] =	wrdreg s25  }
0x27: {  	[dreg:$0x3] =	wrdreg s2  }
0x28: {  	[dreg:$0x4] =	wrdreg $0x9  }
0x29: {  	_ =	task.clear_ibuf [dreg:s7], $0x5FFFF;
	_ =	strace $0x90000049  }
0x2a: {  	s29 =	simm.s32 $0x9;
	_ =	strace $0x8000004B  }
0x2b: {  	_ =	swait.ge [sflag:s29], $0x1  }
0x2c: {  	[sflag:s29] =	ssyncadd.s32 $0xFFFFFFFF  }
0x2d: {  	_ =	strace $0x9000004B  }
0x2e: {  	_ =	sfence  }
0x2f: {  	s30 =	sld [smem:$0x0];
	_ =	sdelay $0x2  }
0x30: {  	s31 =	sshll.u32 s1, $0xD;
	s1 =	sshrl.u32 s1, $0x2  }
0x31: {  	s3 =	sand.u32 $0x4000, s31;
	s1 =	sadd.s32 s1, s30  }
0x32: {  	s0 =	sor.u32 s3, s0;
	s1 =	sshll.u32 s1, $0x11  }
0x33: {  	s0 =	sor.u32 s1, s0  }
0x34: {  	s0 =	sadd.s32 $0x8F2B, s0  }
0x35: {  	[sflag:s0] =	ssyncadd.remote.s32 $0x1  }
0x36: {  	_ =	sfence.sel $0xFFFF  }
0x37: {  	[dreg:$0x0] =	wrdreg $0xFFFFFFFF;
	(pc) =	sbr.abs _section_cstart, $3  }
0x38: {  	[dreg:$0x1] =	wrdreg $0xFFFFFFFF  }
0x39: {  	_ =	task.clear_ibuf [dreg:s7], $0x2FFFF;
	_ =	strace $0x9FFFFFFF  }
0x3a: {  	(tm) =	ssettm $0x7FFFFFFF  }
0x3b: {  	_ =	shalt  }
tec
execute0_lowered:
.L_overlay_start_1:
0x0: {  	(tag) =	ssettag $0x1  }
0x1: {  	s0 =	srdreg.scid  }
0x2: {  	s1 =	sshll.u32 s0, $0x4  }
0x3: {  	s0 =	stileid.u32;
	s1 =	sand.u32 $0x10, s1  }
0x4: {  	s1 =	sor.u32 s0, s1  }
0x5: {  	s6 =	rddreg [dreg:$0x0];
	s4 =	simm.s32 $0x1;
	s2 =	sshll.u32 s1, $0x7  }
0x6: {  	s7 =	simm.s32 $0x2;
	s12 =	simm.s32 $0x0;
	s1 =	ssub.s32 $0x4000, s2  }
0x7: {  	s8 =	simm.s32 $0x20000;
	s13 =	simm.s32 $0x0;
	s3 =	sand.u32 $0xF80, s1  }
0x8: {  	s9 =	simm.s32 $0x0;
	s5 =	sshrl.u32 s1, $0xC;
	p0 =	sne.s32 s3, $0x0  }
.Ltmp0:
0x9: {  	s1 =	rddreg [dreg:$0x2];
	s4 =	simm.s32 @!p0 $0x0;
	(pc) =	sbr.rel .LBB1_1-.Ltmp0, $4  }
0xa: {  	s11 =	simm.s32 $0x0;
	s3 =	rddreg [dreg:$0x1];
	s5 =	sadd.s32 s4, s5  }
0xb: {  	_ =	strace $0x8000004A;
	s4 =	simm.s32 $0x1;
	s5 =	smul.u32 $0xC8, s5  }
0xc: {  	s6 =	sadd.s32 $0x805A00, s6;
	s10 =	smov.u32 s2;
	[sflag:s4] =	ssyncpa.u1 $0x0  }
0xd: {  	p0 =	por $0x0, $0x0;
	[sflag:s7] =	ssyncpa.u1 $0x0;
	s7 =	sor.u32 $0x1, s5  }
.LBB1_4:
0xe: {  	s16 =	sshll.u32 s13, $0x3;
	s17 =	sand.u32 $0x78, s13  }
0xf: {  	s30 =	sand.u32 $0x1F800, s13;
	s12 =	sshll.u32 s12, $0x11;
	s16 =	sand.u32 $0x3C00, s16  }
0x10: {  	[tilespmem:s15+$0x810 ss:$0x81] =	vst.msk $0xffff, v2;
	s31 =	sand.u32 $0x7, s13;
	s16 =	sor.u32 s17, s16;
	s17 =	sadd.s32 s3, s30  }
0x11: {  	[tilespmem:s15+$0x1020 ss:$0x81] =	vst.msk $0xffff, v0;
	s13 =	sshll.u32 s31, $0x12;
	s12 =	sadd.s32 s12, s17;
	s16 =	sshrl.u32 s16, $0x3  }
0x12: {  	[tilespmem:s15+$0x0 ss:$0x81] =	vst.msk $0xffff, v1;
	s13 =	sor.u32 $0x400, s13;
	s12 =	sadd.s32 s16, s12  }
0x13: {  	[hbm4b:s12+s13] =	stream.strided.scatter [tilespmem:s14], [sflag:$0x2], $0x2000, s8, s13, $0x20;
	[tilespmem:$0x8080] =	vst v63  }
.LBB1_5:
0x14: {  	s14 =	sadd.s32 $0x1, s9  }
0x15: {  	s12 =	sadd.s32 $0x1000, s10;
	s16 =	smov.u32 s10;
	p2 =	sgt.s32 s14, $0xC7  }
0x16: {  	s16 =	smov.u32 @p2 s12  }
0x17: {  	s14 =	simm.s32 @p2 $0x0;
	p2 =	sgt.s32 s16, $0x3FFF  }
0x18: {  	s16 =	smov.u32 @p2 s2;
	p2 =	sne.s32 s11, s7  }
.Ltmp1:
0x19: {  	p1 =	slt.u32 s11, $0x2;
	(pc) =	sbr.rel @!p2 .LBB1_6-.Ltmp1, $4  }
0x1a: {  	s15 =	simm.s32 @!p1 $0x2  }
0x1b: {  	s13 =	smov.u32 s10;
	p0 =	por !p0, !p0;
	_ =	swait.ge @!p1 [sflag:s15], $0x2000  }
0x1c: {  	s12 =	smov.u32 s9;
	[sflag:s15] =	ssyncset.done @!p1 $0x0;
	s9 =	smov.u32 s14  }
0x1d: {  	s11 =	sadd.s32 $0x1, s11;
	[sflag:s15] =	ssyncadd.s32 @!p1 $0xFFFFE000;
	s10 =	smov.u32 s16  }
.LBB1_1:
0x1e: {  	p1 =	sge.u32 s11, s5  }
0x1f: {  	s14 =	sand.u32 @!p1 $0x1FFFFFF, s9  }
0x20: {  	s15 =	smulhi.u32 @!p1 $0x147AE15, s14;
	_ =	sdelay $0x1  }
0x21: {  	s15 =	smul.u32 @!p1 $0xC8, s15  }
0x22: {  	s16 =	sxor.u32 @!p1 $0xFFFFFFFF, s11;
	s17 =	smul.u32 @!p1 $0xC80, s10  }
0x23: {  	s31 =	sadd.s32 $0xFFFFFFFF, s11;
	s16 =	sshll.u32 @!p1 s16, $0xD;
	s14 =	ssub.s32 @!p1 s14, s15  }
0x24: {  	s15 =	sand.u32 @!p1 $0x2000, s16;
	s16 =	sadd.s32 @!p1 s6, s17;
	s14 =	sshll.u32 @!p1 s14, $0x4  }
0x25: {  	s17 =	simm.s32 @!p1 $0x6400;
	s14 =	sadd.s32 @!p1 s14, s16;
	s16 =	simm.s32 @!p1 $0x40  }
0x26: {  	[tilespmem:s15], [sflag:$0x1] =	stream.strided.gather @!p1 [hbm4b:s14+s16], $0x2000, s17, s16, $0x38;
	[tilespmem:$0x8080] =	vst v63  }
0x27: {  	p1 =	sge.u32 s31, s5  }
.Ltmp2:
0x28: {  	_ = 	snop;
	(pc) =	sbr.rel @p1 .LBB1_5-.Ltmp2, $1  }
0x29: {  	_ =	sdelay $0x3  }
0x2a: {  	s14 =	simm.s32 $0x1  }
0x2b: {  	_ =	swait.ge [sflag:s4], $0x2000;
	s14 =	simm.s32 @!p0 $0x0  }
0x2c: {  	[sflag:s4] =	ssyncset.done $0x0;
	s15 =	sshll.u32 s14, $0xD  }
0x2d: {  	[sflag:s4] =	ssyncadd.s32 $0xFFFFE000;
	s18 =	sor.u32 $0x20, s15  }
0x2e: {  	s14 =	smul.u32 $0x8100, s14;
	v3 =	vld [tilespmem:s18+$0x10]  }
0x2f: {  	s30 =	sand.u32 $0x1, s11;
	v2 =	vld [tilespmem:s18+$0xFFFFFFF0]  }
0x30: {  	s15 =	smul.u32 $0x8100, s30;
	s14 =	sshrl.u32 s14, $0x2;
	v0 =	vld [tilespmem:s18+$0x0]  }
0x31: {  	v1 =	vld [tilespmem:s18+$0xFFFFFFE0];
	s16 =	sor.u32 $0x4000, s14  }
0x32: {  	s31 =	sshrl.u32 s15, $0x2;
	s15 =	sadd.s32 $0x0, s16  }
0x33: {  	s17 =	simm.s32 $0x4;
	s18 =	sadd.s32 $0x40, s18;
	s14 =	sor.u32 $0x4000, s31;
	[tilespmem:s15+$0x1830 ss:$0x81] =	vst.msk $0xffff, v3  }
.LBB1_3:
0x34: {  	v3 =	vld [tilespmem:s18+$0x10];
	p1 =	sne.s32 s17, $0x1FC;
	[tilespmem:s15+$0x810 ss:$0x81] =	vst.msk $0xffff, v2;
	s19 =	smov.u32 s17;
	s17 =	sadd.s32 $0x4, s17  }
.Ltmp3:
0x35: {  	v2 =	vld [tilespmem:s18+$0xFFFFFFF0];
	[tilespmem:s15+$0x1020 ss:$0x81] =	vst.msk $0xffff, v0;
	(pc) =	sbr.rel @p1 .LBB1_3-.Ltmp3, $4  }
0x36: {  	v0 =	vld [tilespmem:s18+$0x0];
	[tilespmem:s15+$0x0 ss:$0x81] =	vst.msk $0xffff, v1  }
0x37: {  	s15 =	sshra.s32 s19, $0x2;
	v1 =	vld [tilespmem:s18+$0xFFFFFFE0]  }
0x38: {  	s15 =	sadd.s32 s15, s16  }
0x39: {  	s18 =	sadd.s32 $0x40, s18;
	[tilespmem:s15+$0x1830 ss:$0x81] =	vst.msk $0xffff, v3  }
.Ltmp4:
0x3a: {  	_ = 	snop;
	(pc) =	sbr.rel .LBB1_4-.Ltmp4, $1  }
0x3b: {  	_ =	sdelay $0x3  }
.LBB1_6:
0x3c: {  	_ =	sfence.sel $0x180000  }
0x3d: {  	s2 =	simm.s32 $0x1;
	[bflag:$0x0] =	sbarrier.arrive $0xFFFF  }
0x3e: {  	s31 =	simm.s32 $0x2;
	[sflag:s2] =	ssyncpa.u1 $0x1  }
0x3f: {  	[sflag:s31] =	ssyncpa.u1 $0x1  }
0x40: {  	p0 =	sne.s32 s0, $0x0;
	_ =	strace $0x9000004A  }
0x41: {  	s0 =	sadd.s32 @!p0 $0x100000, s1;
	[bflag:$0x2] =	sbarrier.arrive $0xFFFF  }
0x42: {  	[sflag:s0] =	ssyncadd.tile.s32 @!p0 $0x1;
	_ =	shalt  }
.Lfunc_end1:
_tile_overlayer_lowered:
.L_overlay_start_2:
0x43: {  	(tag) =	ssettag $0x2  }
0x44: {  	s0 =	rddreg [dreg:$0x0];
	s2 =	stileid.u32  }
0x45: {  	s1 =	rddreg [dreg:$0x1];
	p0 =	sne.s32 s2, $0x0  }
0x46: {  	s3 =	rddreg [dreg:$0x2];
	[bflag:$0x3] =	sbarrier.arrive $0xFFFF;
	s2 =	simm.s32 @!p0 $0x1C01  }
0x47: {  	[timem:s3], [sflag:s2] =	dma.local @!p0 [hbm:s0], s1  }
0x48: {  	s0 =	simm.s32 @!p0 $0x1  }
0x49: {  	_ =	swait.ge @!p0 [sflag:s0], s1  }
0x4a: {  	s1 =	ssub.s32 @!p0 $0x0, s1;
	[sflag:s0] =	ssyncset.done @!p0 $0x0  }
0x4b: {  	[sflag:s0] =	ssyncadd.s32 @!p0 s1  }
0x4c: {  	[bflag:$0x3] =	sbarrier.arrive $0xFFFF  }
0x4d: {  	_ =	shalt  }

</sc_bundles>
